<compile_context>
chip_gen: v7x
topology: tpu7x:2x2x1
jax: 0.10.2.dev20260603
libtpu: 0.0.44.dev20260713+nightly
codegen_flags: <defaults>
</compile_context>

<pallas_src>
import jax
import jax.numpy as jnp
from jax import lax
from jax.experimental import pallas as pl
from jax.experimental.pallas import tpu as pltpu
from jax.experimental.pallas import tpu_sc as plsc

_N = 10000
_E = 320000
_D_IN = 128
_D_HID = 32
_D_OUT = 2
_W2P = 16
_EPS = 1e-5

_NC = 2
_NS = 16
_NW = _NC * _NS
_GE = 250
_TG = 1280
_GF = _TG // _NW
_NBUF = 4
_ROWS = 10112
_RPT = _ROWS // _NS
_DW = 8


def _sc_agg(width, with_deg):
  mesh = plsc.VectorSubcoreMesh(core_axis_name="c", subcore_axis_name="s",
                                num_cores=_NC, num_subcores=_NS)
  out_type = [jax.ShapeDtypeStruct((_NC, _ROWS, width), jnp.float32)]
  scratch = [
      pltpu.VMEM((_GF, _GE), jnp.int32),
      pltpu.VMEM((_GF, _GE), jnp.int32),
      pltpu.VMEM((_NBUF, _GE, width), jnp.float32),
      pltpu.VMEM_SHARED((_ROWS, width), jnp.float32),
  ]
  if with_deg:
    out_type.append(jax.ShapeDtypeStruct((_NC, _ROWS, _DW), jnp.float32))
    scratch += [
        pltpu.VMEM((_GE, _DW), jnp.float32),
        pltpu.VMEM_SHARED((_ROWS, _DW), jnp.float32),
    ]
  scratch += [pltpu.SemaphoreType.DMA] * (3 * _NBUF)

  def body(*refs):
    if with_deg:
      (y_hbm, e_hbm, zf_hbm, zd_hbm, ones_hbm, acc_out, deg_out,
       src_v, dst_v, msgs_v, acc_sh, ones_v, deg_sh, *sems) = refs
    else:
      (y_hbm, e_hbm, zf_hbm, acc_out,
       src_v, dst_v, msgs_v, acc_sh, *sems) = refs
    gsem = sems[:_NBUF]
    ssem = sems[_NBUF:2 * _NBUF]
    dsem = sems[2 * _NBUF:]

    c = lax.axis_index("c")
    s = lax.axis_index("s")
    row0 = s * _RPT
    lo = (c * _NS + s) * _GF

    pltpu.sync_copy(zf_hbm, acc_sh.at[pl.ds(row0, _RPT)])
    if with_deg:
      pltpu.sync_copy(zd_hbm, deg_sh.at[pl.ds(row0, _RPT)])
      pltpu.sync_copy(ones_hbm, ones_v)
    pltpu.sync_copy(e_hbm.at[0, pl.ds(lo, _GF)], src_v)
    pltpu.sync_copy(e_hbm.at[1, pl.ds(lo, _GF)], dst_v)
    for b in range(_NBUF):
      pltpu.async_copy(y_hbm.at[src_v.at[b]], msgs_v.at[b], gsem[b])
    plsc.subcore_barrier()

    def step(i, carry):
      for b in range(_NBUF):
        r = i * _NBUF + b
        pltpu.make_async_copy(y_hbm.at[src_v.at[r]], msgs_v.at[b],
                              gsem[b]).wait()
        sd = pltpu.async_copy(msgs_v.at[b], acc_sh.at[dst_v.at[r]], ssem[b],
                              add=True)
        if with_deg:
          @pl.when(r >= _NBUF)
          def _drain():
            pltpu.make_async_copy(ones_v, deg_sh.at[dst_v.at[r]],
                                  dsem[b]).wait()

          pltpu.async_copy(ones_v, deg_sh.at[dst_v.at[r]], dsem[b], add=True)
        sd.wait()

        @pl.when(r + _NBUF < _GF)
        def _start_next():
          pltpu.async_copy(y_hbm.at[src_v.at[r + _NBUF]], msgs_v.at[b],
                           gsem[b])
      return carry

    lax.fori_loop(0, _GF // _NBUF, step, 0)
    if with_deg:
      for b in range(_NBUF):
        pltpu.make_async_copy(ones_v, deg_sh.at[dst_v.at[0]], dsem[b]).wait()
    plsc.subcore_barrier()
    pltpu.sync_copy(acc_sh.at[pl.ds(row0, _RPT)],
                    acc_out.at[c, pl.ds(row0, _RPT)])
    if with_deg:
      pltpu.sync_copy(deg_sh.at[pl.ds(row0, _RPT)],
                      deg_out.at[c, pl.ds(row0, _RPT)])

  return pl.kernel(
      body, out_type=out_type, mesh=mesh, scratch_types=scratch,
      compiler_params=pltpu.CompilerParams(use_tc_tiling_on_sc=False))


def _stage_a(x, W1_l, W1_r, b1):
  def body(x_ref, wl_ref, wr_ref, b_ref, y_ref, z_ref):
    xv = x_ref[...]
    y_ref[...] = jnp.dot(xv, wl_ref[...], preferred_element_type=jnp.float32)
    z_ref[...] = (jnp.dot(xv, wr_ref[...], preferred_element_type=jnp.float32)
                  + b_ref[...])

  return pl.pallas_call(
      body,
      out_shape=[jax.ShapeDtypeStruct((_N, _D_HID), jnp.float32),
                 jax.ShapeDtypeStruct((_N, _D_HID), jnp.float32)],
  )(x, W1_l, W1_r, b1)


def _stage_b(acc1, deg, z1, gamma, beta, W2lp, W2_r, b2):
  def body(acc_ref, deg_ref, z1_ref, g_ref, be_ref, wl_ref, wr_ref, b2_ref,
           y2_ref, z2_ref):
    dsum = deg_ref[0, :_N, :1] + deg_ref[1, :_N, :1]
    invd = 1.0 / jnp.maximum(dsum, 1.0)
    pre = (acc_ref[0, :_N, :] + acc_ref[1, :_N, :]) * invd + z1_ref[...]
    mu = jnp.mean(pre, axis=0, keepdims=True)
    var = jnp.mean((pre - mu) ** 2, axis=0, keepdims=True)
    h = (pre - mu) * lax.rsqrt(var + _EPS) * g_ref[...] + be_ref[...]
    h = jnp.maximum(h, 0.0)
    y2_ref[...] = jnp.dot(h, wl_ref[...], preferred_element_type=jnp.float32)
    z2 = (jnp.dot(h, wr_ref[...], preferred_element_type=jnp.float32)
          + b2_ref[...])
    z2_ref[...] = jnp.concatenate(
        [z2, invd, jnp.zeros((_N, _W2P - _D_OUT - 1), jnp.float32)], axis=1)

  return pl.pallas_call(
      body,
      out_shape=[jax.ShapeDtypeStruct((_N, _W2P), jnp.float32),
                 jax.ShapeDtypeStruct((_N, _W2P), jnp.float32)],
  )(acc1, deg, z1, gamma, beta, W2lp, W2_r, b2)


def _stage_c(acc2, z2e, gamma, beta):
  def body(acc_ref, z2_ref, g_ref, be_ref, out_ref):
    invd = z2_ref[:, _D_OUT:_D_OUT + 1]
    pre = (acc_ref[0, :_N, :_D_OUT] + acc_ref[1, :_N, :_D_OUT]) * invd \
        + z2_ref[:, :_D_OUT]
    mu = jnp.mean(pre, axis=0, keepdims=True)
    var = jnp.mean((pre - mu) ** 2, axis=0, keepdims=True)
    h = (pre - mu) * lax.rsqrt(var + _EPS) * g_ref[...] + be_ref[...]
    m = jnp.max(h, axis=1, keepdims=True)
    lse = jnp.log(jnp.sum(jnp.exp(h - m), axis=1, keepdims=True)) + m
    out_ref[...] = h - lse

  return pl.pallas_call(
      body,
      out_shape=jax.ShapeDtypeStruct((_N, _D_OUT), jnp.float32),
  )(acc2, z2e, gamma, beta)


def kernel(x, edge_index, W1_l, W1_r, b1, bn1_gamma, bn1_beta,
           W2_l, W2_r, b2, bn2_gamma, bn2_beta):
  e3 = edge_index.reshape(2, _TG, _GE)
  zf32 = jnp.zeros((_RPT, _D_HID), jnp.float32)
  zf16 = jnp.zeros((_RPT, _W2P), jnp.float32)
  zd = jnp.zeros((_RPT, _DW), jnp.float32)
  ones = jnp.ones((_GE, _DW), jnp.float32)
  W2lp = jnp.pad(W2_l, ((0, 0), (0, _W2P - _D_OUT)))

  y1, z1 = _stage_a(x, W1_l, W1_r, b1)
  acc1, deg = _sc_agg(_D_HID, True)(y1, e3, zf32, zd, ones)
  y2p, z2e = _stage_b(acc1, deg, z1, bn1_gamma, bn1_beta, W2lp, W2_r, b2)
  (acc2,) = _sc_agg(_W2P, False)(y2p, e3, zf16)
  return _stage_c(acc2, z2e, bn2_gamma, bn2_beta)

# --- scband reference (transcript-rebuilt; emitter-appended) ---
"""Pipeline reference for scband-graph-sage-36601711296652 (READ-ONLY COPY).

The authoritative reference and input builder live on the scoring server;
editing this copy changes nothing except your own understanding.
"""

import jax, jax.numpy as jnp
import numpy as np

N = 10000
E = 320000
D_IN = 128
D_HID = 32
D_OUT = 2
EPS = 1e-5

def setup_inputs(seed: int = 0) -> dict:
    key = jax.random.key(seed)
    ks = jax.random.split(key, 12)
    x = jax.random.normal(ks[0], (N, D_IN), dtype=jnp.float32)
    edge_index = jax.random.randint(ks[1], (2, E), 0, N, dtype=jnp.int32)
    s1 = 1.0 / np.sqrt(D_IN)
    s2 = 1.0 / np.sqrt(D_HID)
    W1_l = jax.random.normal(ks[2], (D_IN, D_HID), dtype=jnp.float32) * s1
    W1_r = jax.random.normal(ks[3], (D_IN, D_HID), dtype=jnp.float32) * s1
    b1 = jax.random.normal(ks[4], (D_HID,), dtype=jnp.float32) * 0.01
    bn1_gamma = jnp.ones((D_HID,), dtype=jnp.float32)
    bn1_beta = jnp.zeros((D_HID,), dtype=jnp.float32)
    W2_l = jax.random.normal(ks[5], (D_HID, D_OUT), dtype=jnp.float32) * s2
    W2_r = jax.random.normal(ks[6], (D_HID, D_OUT), dtype=jnp.float32) * s2
    b2 = jax.random.normal(ks[7], (D_OUT,), dtype=jnp.float32) * 0.01
    bn2_gamma = jnp.ones((D_OUT,), dtype=jnp.float32)
    bn2_beta = jnp.zeros((D_OUT,), dtype=jnp.float32)
    return {"x": x, "edge_index": edge_index,
            "W1_l": W1_l, "W1_r": W1_r, "b1": b1,
            "bn1_gamma": bn1_gamma, "bn1_beta": bn1_beta,
            "W2_l": W2_l, "W2_r": W2_r, "b2": b2,
            "bn2_gamma": bn2_gamma, "bn2_beta": bn2_beta}

def _sage_conv(h, edge_index, W_l, W_r, b):
    # PyG SAGEConv with mean aggregation: out = lin_l(mean_j x_j) + lin_r(x_i)
    src = edge_index[0]
    dst = edge_index[1]
    msgs = jnp.take(h, src, axis=0)
    sums = jax.ops.segment_sum(msgs, dst, num_segments=N)
    deg = jax.ops.segment_sum(jnp.ones((E,), dtype=h.dtype), dst, num_segments=N)
    mean = sums / jnp.clip(deg, 1.0, None)[:, None]
    return mean @ W_l + b + h @ W_r

def _batch_norm(h, gamma, beta):
    mu = jnp.mean(h, axis=0)
    var = jnp.var(h, axis=0)
    return (h - mu) / jnp.sqrt(var + EPS) * gamma + beta

def reference(x, edge_index, W1_l, W1_r, b1, bn1_gamma, bn1_beta,
              W2_l, W2_r, b2, bn2_gamma, bn2_beta):
    h = _sage_conv(x, edge_index, W1_l, W1_r, b1)
    h = _batch_norm(h, bn1_gamma, bn1_beta)
    h = jax.nn.relu(h)
    # dropout is identity for deterministic reference (eval semantics)
    h2 = _sage_conv(h, edge_index, W2_l, W2_r, b2)
    h2 = _batch_norm(h2, bn2_gamma, bn2_beta)
    return jax.nn.log_softmax(h2, axis=1)

if __name__ == "__main__":
    import jax
    _d = setup_inputs()
    print(jax.jit(kernel)(*tuple(_d.values())))

</pallas_src>

<mosaic_0001>
#map = affine_map<(d0, d1) -> (0, 0)>
#map1 = affine_map<(d0, d1) -> (0, 0, 0)>
module attributes {stable_mosaic.version = 14 : i64} {
  func.func @body(%arg0: i32, %arg1: i32, %arg2: memref<10000x32xf32, #tpu.memory_space<hbm>>, %arg3: memref<2x1280x250xi32, #tpu.memory_space<hbm>>, %arg4: memref<632x32xf32, #tpu.memory_space<hbm>>, %arg5: memref<632x8xf32, #tpu.memory_space<hbm>>, %arg6: memref<250x8xf32, #tpu.memory_space<hbm>>, %arg7: memref<2x10112x32xf32, #tpu.memory_space<hbm>>, %arg8: memref<2x10112x8xf32, #tpu.memory_space<hbm>>, %arg9: memref<40x250xi32, #tpu.memory_space<vmem>>, %arg10: memref<40x250xi32, #tpu.memory_space<vmem>>, %arg11: memref<4x250x32xf32, #tpu.memory_space<vmem>>, %arg12: memref<10112x32xf32, #tpu.memory_space<vmem_shared>>, %arg13: memref<250x8xf32, #tpu.memory_space<vmem>>, %arg14: memref<10112x8xf32, #tpu.memory_space<vmem_shared>>, %arg15: memref<!tpu.dma_semaphore, #tpu.memory_space<semaphore_mem>>, %arg16: memref<!tpu.dma_semaphore, #tpu.memory_space<semaphore_mem>>, %arg17: memref<!tpu.dma_semaphore, #tpu.memory_space<semaphore_mem>>, %arg18: memref<!tpu.dma_semaphore, #tpu.memory_space<semaphore_mem>>, %arg19: memref<!tpu.dma_semaphore, #tpu.memory_space<semaphore_mem>>, %arg20: memref<!tpu.dma_semaphore, #tpu.memory_space<semaphore_mem>>, %arg21: memref<!tpu.dma_semaphore, #tpu.memory_space<semaphore_mem>>, %arg22: memref<!tpu.dma_semaphore, #tpu.memory_space<semaphore_mem>>, %arg23: memref<!tpu.dma_semaphore, #tpu.memory_space<semaphore_mem>>, %arg24: memref<!tpu.dma_semaphore, #tpu.memory_space<semaphore_mem>>, %arg25: memref<!tpu.dma_semaphore, #tpu.memory_space<semaphore_mem>>, %arg26: memref<!tpu.dma_semaphore, #tpu.memory_space<semaphore_mem>>) attributes {dimension_semantics = [#tpu.dimension_semantics<core_parallel>, #tpu.dimension_semantics<subcore_parallel>], iteration_bounds = array<i64: 2, 16>, scalar_prefetch = 0 : i64, scratch_operands = 18 : i64, tpu.core_type = #tpu.core_type<sc_vector_subcore>, window_params = [{transform_indices = #map}, {transform_indices = #map1}, {transform_indices = #map}, {transform_indices = #map}, {transform_indices = #map}, {transform_indices = #map1}, {transform_indices = #map1}]} {
    %mul3A = arith.constant 632 : i32
    %mul3A_0 = arith.muli %arg1, %mul3A : i32
    %mul3A_1 = arith.constant 16 : i32
    %mul3A_2 = arith.muli %arg0, %mul3A_1 : i32
    %add3A = arith.addi %mul3A_2, %arg1 : i32
    %mul3A_3 = arith.constant 40 : i32
    %mul3A_4 = arith.muli %add3A, %mul3A_3 : i32
    "tpu.region"() ({
      %run_scoped3A_86 = tpu.sem_alloc : memref<!tpu.dma_semaphore, #tpu.memory_space<semaphore_mem>>
      %dma_start3A_87 = arith.constant 0 : i32
      %dma_start3A_88 = tpu.memref_slice %arg12[%mul3A_0, %dma_start3A_87] : memref<10112x32xf32, #tpu.memory_space<vmem_shared>> -> memref<632x32xf32, #tpu.memory_space<vmem_shared>>
      tpu.enqueue_dma source(%arg4 : memref<632x32xf32, #tpu.memory_space<hbm>>) target(%dma_start3A_88 : memref<632x32xf32, #tpu.memory_space<vmem_shared>>) target_semaphore(%run_scoped3A_86 : memref<!tpu.dma_semaphore, #tpu.memory_space<semaphore_mem>>)
      %dma_wait3A_89 = arith.constant 0 : i32
      %dma_wait3A_90 = tpu.memref_slice %arg12[%mul3A_0, %dma_wait3A_89] : memref<10112x32xf32, #tpu.memory_space<vmem_shared>> -> memref<632x32xf32, #tpu.memory_space<vmem_shared>>
      tpu.wait_dma2 semaphore(%run_scoped3A_86 : memref<!tpu.dma_semaphore, #tpu.memory_space<semaphore_mem>>) src(%arg4 : memref<632x32xf32, #tpu.memory_space<hbm>>) dst(%dma_wait3A_90 : memref<632x32xf32, #tpu.memory_space<vmem_shared>>)
      tpu.yield
    }) : () -> ()
    "tpu.region"() ({
      %run_scoped3A_86 = tpu.sem_alloc : memref<!tpu.dma_semaphore, #tpu.memory_space<semaphore_mem>>
      %dma_start3A_87 = arith.constant 0 : i32
      %dma_start3A_88 = tpu.memref_slice %arg14[%mul3A_0, %dma_start3A_87] : memref<10112x8xf32, #tpu.memory_space<vmem_shared>> -> memref<632x8xf32, #tpu.memory_space<vmem_shared>>
      tpu.enqueue_dma source(%arg5 : memref<632x8xf32, #tpu.memory_space<hbm>>) target(%dma_start3A_88 : memref<632x8xf32, #tpu.memory_space<vmem_shared>>) target_semaphore(%run_scoped3A_86 : memref<!tpu.dma_semaphore, #tpu.memory_space<semaphore_mem>>)
      %dma_wait3A_89 = arith.constant 0 : i32
      %dma_wait3A_90 = tpu.memref_slice %arg14[%mul3A_0, %dma_wait3A_89] : memref<10112x8xf32, #tpu.memory_space<vmem_shared>> -> memref<632x8xf32, #tpu.memory_space<vmem_shared>>
      tpu.wait_dma2 semaphore(%run_scoped3A_86 : memref<!tpu.dma_semaphore, #tpu.memory_space<semaphore_mem>>) src(%arg5 : memref<632x8xf32, #tpu.memory_space<hbm>>) dst(%dma_wait3A_90 : memref<632x8xf32, #tpu.memory_space<vmem_shared>>)
      tpu.yield
    }) : () -> ()
    "tpu.region"() ({
      %run_scoped3A_86 = tpu.sem_alloc : memref<!tpu.dma_semaphore, #tpu.memory_space<semaphore_mem>>
      tpu.enqueue_dma source(%arg6 : memref<250x8xf32, #tpu.memory_space<hbm>>) target(%arg13 : memref<250x8xf32, #tpu.memory_space<vmem>>) target_semaphore(%run_scoped3A_86 : memref<!tpu.dma_semaphore, #tpu.memory_space<semaphore_mem>>)
      tpu.wait_dma2 semaphore(%run_scoped3A_86 : memref<!tpu.dma_semaphore, #tpu.memory_space<semaphore_mem>>) src(%arg6 : memref<250x8xf32, #tpu.memory_space<hbm>>) dst(%arg13 : memref<250x8xf32, #tpu.memory_space<vmem>>)
      tpu.yield
    }) : () -> ()
    %run_scoped3A = arith.constant 0 : i32
    "tpu.region"() ({
      %run_scoped3A_86 = tpu.sem_alloc : memref<!tpu.dma_semaphore, #tpu.memory_space<semaphore_mem>>
      %dma_start3A_87 = arith.constant 0 : i32
      %dma_start3A_88 = tpu.memref_slice %arg3[%run_scoped3A, %mul3A_4, %dma_start3A_87] : memref<2x1280x250xi32, #tpu.memory_space<hbm>> -> memref<1x40x250xi32, #tpu.memory_space<hbm>>
      %dma_start3A_89 = tpu.memref_squeeze %dma_start3A_88 : memref<1x40x250xi32, #tpu.memory_space<hbm>> -> memref<40x250xi32, #tpu.memory_space<hbm>>
      %dma_start3A_90 = arith.constant 0 : i32
      %dma_start3A_91 = tpu.memref_slice %arg3[%run_scoped3A, %mul3A_4, %dma_start3A_90] : memref<2x1280x250xi32, #tpu.memory_space<hbm>> -> memref<1x40x250xi32, #tpu.memory_space<hbm>>
      %dma_start3A_92 = tpu.memref_squeeze %dma_start3A_91 : memref<1x40x250xi32, #tpu.memory_space<hbm>> -> memref<40x250xi32, #tpu.memory_space<hbm>>
      tpu.enqueue_dma source(%dma_start3A_92 : memref<40x250xi32, #tpu.memory_space<hbm>>) target(%arg9 : memref<40x250xi32, #tpu.memory_space<vmem>>) target_semaphore(%run_scoped3A_86 : memref<!tpu.dma_semaphore, #tpu.memory_space<semaphore_mem>>)
      %dma_wait3A_93 = arith.constant 0 : i32
      %dma_wait3A_94 = tpu.memref_slice %arg3[%run_scoped3A, %mul3A_4, %dma_wait3A_93] : memref<2x1280x250xi32, #tpu.memory_space<hbm>> -> memref<1x40x250xi32, #tpu.memory_space<hbm>>
      %dma_wait3A_95 = tpu.memref_squeeze %dma_wait3A_94 : memref<1x40x250xi32, #tpu.memory_space<hbm>> -> memref<40x250xi32, #tpu.memory_space<hbm>>
      %dma_wait3A_96 = arith.constant 0 : i32
      %dma_wait3A_97 = tpu.memref_slice %arg3[%run_scoped3A, %mul3A_4, %dma_wait3A_96] : memref<2x1280x250xi32, #tpu.memory_space<hbm>> -> memref<1x40x250xi32, #tpu.memory_space<hbm>>
      %dma_wait3A_98 = tpu.memref_squeeze %dma_wait3A_97 : memref<1x40x250xi32, #tpu.memory_space<hbm>> -> memref<40x250xi32, #tpu.memory_space<hbm>>
      tpu.wait_dma2 semaphore(%run_scoped3A_86 : memref<!tpu.dma_semaphore, #tpu.memory_space<semaphore_mem>>) src(%dma_wait3A_98 : memref<40x250xi32, #tpu.memory_space<hbm>>) dst(%arg9 : memref<40x250xi32, #tpu.memory_space<vmem>>)
      tpu.yield
    }) : () -> ()
    %run_scoped3A_5 = arith.constant 1 : i32
    "tpu.region"() ({
      %run_scoped3A_86 = tpu.sem_alloc : memref<!tpu.dma_semaphore, #tpu.memory_space<semaphore_mem>>
      %dma_start3A_87 = arith.constant 0 : i32
      %dma_start3A_88 = tpu.memref_slice %arg3[%run_scoped3A_5, %mul3A_4, %dma_start3A_87] : memref<2x1280x250xi32, #tpu.memory_space<hbm>> -> memref<1x40x250xi32, #tpu.memory_space<hbm>>
      %dma_start3A_89 = tpu.memref_squeeze %dma_start3A_88 : memref<1x40x250xi32, #tpu.memory_space<hbm>> -> memref<40x250xi32, #tpu.memory_space<hbm>>
      %dma_start3A_90 = arith.constant 0 : i32
      %dma_start3A_91 = tpu.memref_slice %arg3[%run_scoped3A_5, %mul3A_4, %dma_start3A_90] : memref<2x1280x250xi32, #tpu.memory_space<hbm>> -> memref<1x40x250xi32, #tpu.memory_space<hbm>>
      %dma_start3A_92 = tpu.memref_squeeze %dma_start3A_91 : memref<1x40x250xi32, #tpu.memory_space<hbm>> -> memref<40x250xi32, #tpu.memory_space<hbm>>
      tpu.enqueue_dma source(%dma_start3A_92 : memref<40x250xi32, #tpu.memory_space<hbm>>) target(%arg10 : memref<40x250xi32, #tpu.memory_space<vmem>>) target_semaphore(%run_scoped3A_86 : memref<!tpu.dma_semaphore, #tpu.memory_space<semaphore_mem>>)
      %dma_wait3A_93 = arith.constant 0 : i32
      %dma_wait3A_94 = tpu.memref_slice %arg3[%run_scoped3A_5, %mul3A_4, %dma_wait3A_93] : memref<2x1280x250xi32, #tpu.memory_space<hbm>> -> memref<1x40x250xi32, #tpu.memory_space<hbm>>
      %dma_wait3A_95 = tpu.memref_squeeze %dma_wait3A_94 : memref<1x40x250xi32, #tpu.memory_space<hbm>> -> memref<40x250xi32, #tpu.memory_space<hbm>>
      %dma_wait3A_96 = arith.constant 0 : i32
      %dma_wait3A_97 = tpu.memref_slice %arg3[%run_scoped3A_5, %mul3A_4, %dma_wait3A_96] : memref<2x1280x250xi32, #tpu.memory_space<hbm>> -> memref<1x40x250xi32, #tpu.memory_space<hbm>>
      %dma_wait3A_98 = tpu.memref_squeeze %dma_wait3A_97 : memref<1x40x250xi32, #tpu.memory_space<hbm>> -> memref<40x250xi32, #tpu.memory_space<hbm>>
      tpu.wait_dma2 semaphore(%run_scoped3A_86 : memref<!tpu.dma_semaphore, #tpu.memory_space<semaphore_mem>>) src(%dma_wait3A_98 : memref<40x250xi32, #tpu.memory_space<hbm>>) dst(%arg10 : memref<40x250xi32, #tpu.memory_space<vmem>>)
      tpu.yield
    }) : () -> ()
    %dma_start3A = arith.constant 0 : i32
    %dma_start3A_6 = arith.constant 0 : i32
    %dma_start3A_7 = arith.constant 0 : i32
    %dma_start3A_8 = arith.constant 0 : i32
    %dma_start3A_9 = tpu.memref_slice %arg11[%dma_start3A_6, %dma_start3A_7, %dma_start3A_8] : memref<4x250x32xf32, #tpu.memory_space<vmem>> -> memref<1x250x32xf32, #tpu.memory_space<vmem>>
    %dma_start3A_10 = tpu.memref_squeeze %dma_start3A_9 : memref<1x250x32xf32, #tpu.memory_space<vmem>> -> memref<250x32xf32, #tpu.memory_space<vmem>>
    %dma_start3A_11 = arith.constant 0 : i32
    %dma_start3A_12 = tpu.memref_slice %arg9[%dma_start3A, %dma_start3A_11] : memref<40x250xi32, #tpu.memory_space<vmem>> -> memref<1x250xi32, #tpu.memory_space<vmem>>
    %dma_start3A_13 = tpu.memref_squeeze %dma_start3A_12 : memref<1x250xi32, #tpu.memory_space<vmem>> -> memref<250xi32, #tpu.memory_space<vmem>>
    %dma_start3A_14 = arith.constant 0 : i32
    %dma_start3A_15 = arith.constant 0 : i32
    %dma_start3A_16 = tpu.memref_slice %arg2[%dma_start3A_14, %dma_start3A_15] : memref<10000x32xf32, #tpu.memory_space<hbm>> -> memref<10000x32xf32, #tpu.memory_space<hbm>>
    tpu.enqueue_indirect_dma source(%dma_start3A_16 : memref<10000x32xf32, #tpu.memory_space<hbm>>) target(%dma_start3A_10 : memref<250x32xf32, #tpu.memory_space<vmem>>) offsets(%dma_start3A_13 : memref<250xi32, #tpu.memory_space<vmem>>) semaphore(%arg15 : memref<!tpu.dma_semaphore, #tpu.memory_space<semaphore_mem>>)
    %dma_start3A_17 = arith.constant 1 : i32
    %dma_start3A_18 = arith.constant 1 : i32
    %dma_start3A_19 = arith.constant 0 : i32
    %dma_start3A_20 = arith.constant 0 : i32
    %dma_start3A_21 = tpu.memref_slice %arg11[%dma_start3A_18, %dma_start3A_19, %dma_start3A_20] : memref<4x250x32xf32, #tpu.memory_space<vmem>> -> memref<1x250x32xf32, #tpu.memory_space<vmem>>
    %dma_start3A_22 = tpu.memref_squeeze %dma_start3A_21 : memref<1x250x32xf32, #tpu.memory_space<vmem>> -> memref<250x32xf32, #tpu.memory_space<vmem>>
    %dma_start3A_23 = arith.constant 0 : i32
    %dma_start3A_24 = tpu.memref_slice %arg9[%dma_start3A_17, %dma_start3A_23] : memref<40x250xi32, #tpu.memory_space<vmem>> -> memref<1x250xi32, #tpu.memory_space<vmem>>
    %dma_start3A_25 = tpu.memref_squeeze %dma_start3A_24 : memref<1x250xi32, #tpu.memory_space<vmem>> -> memref<250xi32, #tpu.memory_space<vmem>>
    %dma_start3A_26 = arith.constant 0 : i32
    %dma_start3A_27 = arith.constant 0 : i32
    %dma_start3A_28 = tpu.memref_slice %arg2[%dma_start3A_26, %dma_start3A_27] : memref<10000x32xf32, #tpu.memory_space<hbm>> -> memref<10000x32xf32, #tpu.memory_space<hbm>>
    tpu.enqueue_indirect_dma source(%dma_start3A_28 : memref<10000x32xf32, #tpu.memory_space<hbm>>) target(%dma_start3A_22 : memref<250x32xf32, #tpu.memory_space<vmem>>) offsets(%dma_start3A_25 : memref<250xi32, #tpu.memory_space<vmem>>) semaphore(%arg16 : memref<!tpu.dma_semaphore, #tpu.memory_space<semaphore_mem>>)
    %dma_start3A_29 = arith.constant 2 : i32
    %dma_start3A_30 = arith.constant 2 : i32
    %dma_start3A_31 = arith.constant 0 : i32
    %dma_start3A_32 = arith.constant 0 : i32
    %dma_start3A_33 = tpu.memref_slice %arg11[%dma_start3A_30, %dma_start3A_31, %dma_start3A_32] : memref<4x250x32xf32, #tpu.memory_space<vmem>> -> memref<1x250x32xf32, #tpu.memory_space<vmem>>
    %dma_start3A_34 = tpu.memref_squeeze %dma_start3A_33 : memref<1x250x32xf32, #tpu.memory_space<vmem>> -> memref<250x32xf32, #tpu.memory_space<vmem>>
    %dma_start3A_35 = arith.constant 0 : i32
    %dma_start3A_36 = tpu.memref_slice %arg9[%dma_start3A_29, %dma_start3A_35] : memref<40x250xi32, #tpu.memory_space<vmem>> -> memref<1x250xi32, #tpu.memory_space<vmem>>
    %dma_start3A_37 = tpu.memref_squeeze %dma_start3A_36 : memref<1x250xi32, #tpu.memory_space<vmem>> -> memref<250xi32, #tpu.memory_space<vmem>>
    %dma_start3A_38 = arith.constant 0 : i32
    %dma_start3A_39 = arith.constant 0 : i32
    %dma_start3A_40 = tpu.memref_slice %arg2[%dma_start3A_38, %dma_start3A_39] : memref<10000x32xf32, #tpu.memory_space<hbm>> -> memref<10000x32xf32, #tpu.memory_space<hbm>>
    tpu.enqueue_indirect_dma source(%dma_start3A_40 : memref<10000x32xf32, #tpu.memory_space<hbm>>) target(%dma_start3A_34 : memref<250x32xf32, #tpu.memory_space<vmem>>) offsets(%dma_start3A_37 : memref<250xi32, #tpu.memory_space<vmem>>) semaphore(%arg17 : memref<!tpu.dma_semaphore, #tpu.memory_space<semaphore_mem>>)
    %dma_start3A_41 = arith.constant 3 : i32
    %dma_start3A_42 = arith.constant 3 : i32
    %dma_start3A_43 = arith.constant 0 : i32
    %dma_start3A_44 = arith.constant 0 : i32
    %dma_start3A_45 = tpu.memref_slice %arg11[%dma_start3A_42, %dma_start3A_43, %dma_start3A_44] : memref<4x250x32xf32, #tpu.memory_space<vmem>> -> memref<1x250x32xf32, #tpu.memory_space<vmem>>
    %dma_start3A_46 = tpu.memref_squeeze %dma_start3A_45 : memref<1x250x32xf32, #tpu.memory_space<vmem>> -> memref<250x32xf32, #tpu.memory_space<vmem>>
    %dma_start3A_47 = arith.constant 0 : i32
    %dma_start3A_48 = tpu.memref_slice %arg9[%dma_start3A_41, %dma_start3A_47] : memref<40x250xi32, #tpu.memory_space<vmem>> -> memref<1x250xi32, #tpu.memory_space<vmem>>
    %dma_start3A_49 = tpu.memref_squeeze %dma_start3A_48 : memref<1x250xi32, #tpu.memory_space<vmem>> -> memref<250xi32, #tpu.memory_space<vmem>>
    %dma_start3A_50 = arith.constant 0 : i32
    %dma_start3A_51 = arith.constant 0 : i32
    %dma_start3A_52 = tpu.memref_slice %arg2[%dma_start3A_50, %dma_start3A_51] : memref<10000x32xf32, #tpu.memory_space<hbm>> -> memref<10000x32xf32, #tpu.memory_space<hbm>>
    tpu.enqueue_indirect_dma source(%dma_start3A_52 : memref<10000x32xf32, #tpu.memory_space<hbm>>) target(%dma_start3A_46 : memref<250x32xf32, #tpu.memory_space<vmem>>) offsets(%dma_start3A_49 : memref<250xi32, #tpu.memory_space<vmem>>) semaphore(%arg18 : memref<!tpu.dma_semaphore, #tpu.memory_space<semaphore_mem>>)
    %barrier3A = arith.constant 0 : index
    tpu.barrier barrier_id(%barrier3A)
    %scan3A = arith.constant 0 : i32
    %scan3A_53 = arith.constant 0 : i32
    %scan3A_54 = arith.constant 10 : i32
    %scan3A_55 = arith.addi %scan3A_53, %scan3A_54 : i32
    %scan3A_56 = arith.constant 1 : i32
    scf.for %scan3A_86 = %scan3A_53 to %scan3A_55 step %scan3A_56  : i32 {
      %mul3A_87 = arith.constant 4 : i32
      %mul3A_88 = arith.muli %scan3A_86, %mul3A_87 : i32
      %add3A_89 = arith.constant 0 : i32
      %add3A_90 = arith.addi %mul3A_88, %add3A_89 : i32
      %dma_wait3A_91 = arith.constant 0 : i32
      %dma_wait3A_92 = arith.constant 0 : i32
      %dma_wait3A_93 = arith.constant 0 : i32
      %dma_wait3A_94 = tpu.memref_slice %arg11[%dma_wait3A_91, %dma_wait3A_92, %dma_wait3A_93] : memref<4x250x32xf32, #tpu.memory_space<vmem>> -> memref<1x250x32xf32, #tpu.memory_space<vmem>>
      %dma_wait3A_95 = tpu.memref_squeeze %dma_wait3A_94 : memref<1x250x32xf32, #tpu.memory_space<vmem>> -> memref<250x32xf32, #tpu.memory_space<vmem>>
      %dma_wait3A_96 = arith.constant 0 : i32
      %dma_wait3A_97 = tpu.memref_slice %arg9[%add3A_90, %dma_wait3A_96] : memref<40x250xi32, #tpu.memory_space<vmem>> -> memref<1x250xi32, #tpu.memory_space<vmem>>
      %dma_wait3A_98 = tpu.memref_squeeze %dma_wait3A_97 : memref<1x250xi32, #tpu.memory_space<vmem>> -> memref<250xi32, #tpu.memory_space<vmem>>
      %dma_wait3A_99 = arith.constant 0 : i32
      %dma_wait3A_100 = arith.constant 0 : i32
      %dma_wait3A_101 = tpu.memref_slice %arg2[%dma_wait3A_99, %dma_wait3A_100] : memref<10000x32xf32, #tpu.memory_space<hbm>> -> memref<10000x32xf32, #tpu.memory_space<hbm>>
      tpu.wait_indirect_dma semaphore(%arg15 : memref<!tpu.dma_semaphore, #tpu.memory_space<semaphore_mem>>) src(%dma_wait3A_101 : memref<10000x32xf32, #tpu.memory_space<hbm>>) dst(%dma_wait3A_95 : memref<250x32xf32, #tpu.memory_space<vmem>>)
      %dma_start3A_102 = arith.constant 0 : i32
      %dma_start3A_103 = arith.constant 0 : i32
      %dma_start3A_104 = arith.constant 0 : i32
      %dma_start3A_105 = tpu.memref_slice %arg11[%dma_start3A_102, %dma_start3A_103, %dma_start3A_104] : memref<4x250x32xf32, #tpu.memory_space<vmem>> -> memref<1x250x32xf32, #tpu.memory_space<vmem>>
      %dma_start3A_106 = tpu.memref_squeeze %dma_start3A_105 : memref<1x250x32xf32, #tpu.memory_space<vmem>> -> memref<250x32xf32, #tpu.memory_space<vmem>>
      %dma_start3A_107 = arith.constant 0 : i32
      %dma_start3A_108 = tpu.memref_slice %arg10[%add3A_90, %dma_start3A_107] : memref<40x250xi32, #tpu.memory_space<vmem>> -> memref<1x250xi32, #tpu.memory_space<vmem>>
      %dma_start3A_109 = tpu.memref_squeeze %dma_start3A_108 : memref<1x250xi32, #tpu.memory_space<vmem>> -> memref<250xi32, #tpu.memory_space<vmem>>
      %dma_start3A_110 = arith.constant 0 : i32
      %dma_start3A_111 = arith.constant 0 : i32
      %dma_start3A_112 = tpu.memref_slice %arg12[%dma_start3A_110, %dma_start3A_111] : memref<10112x32xf32, #tpu.memory_space<vmem_shared>> -> memref<10112x32xf32, #tpu.memory_space<vmem_shared>>
      tpu.enqueue_indirect_dma source(%dma_start3A_106 : memref<250x32xf32, #tpu.memory_space<vmem>>) target(%dma_start3A_112 : memref<10112x32xf32, #tpu.memory_space<vmem_shared>>) offsets(%dma_start3A_109 : memref<250xi32, #tpu.memory_space<vmem>>) semaphore(%arg19 : memref<!tpu.dma_semaphore, #tpu.memory_space<semaphore_mem>>) {add = true}
      %ge3A = arith.constant 4 : i32
      %ge3A_113 = arith.cmpi sge, %add3A_90, %ge3A : i32
      %convert_element_type3A = arith.extui %ge3A_113 : i1 to i32
      %cond3A = arith.constant 0 : i32
      %cond3A_114 = arith.cmpi ne, %convert_element_type3A, %cond3A : i32
      scf.if %cond3A_114 {
        %dma_wait3A_303 = arith.constant 0 : i32
        %dma_wait3A_304 = tpu.memref_slice %arg10[%add3A_90, %dma_wait3A_303] : memref<40x250xi32, #tpu.memory_space<vmem>> -> memref<1x250xi32, #tpu.memory_space<vmem>>
        %dma_wait3A_305 = tpu.memref_squeeze %dma_wait3A_304 : memref<1x250xi32, #tpu.memory_space<vmem>> -> memref<250xi32, #tpu.memory_space<vmem>>
        %dma_wait3A_306 = arith.constant 0 : i32
        %dma_wait3A_307 = arith.constant 0 : i32
        %dma_wait3A_308 = tpu.memref_slice %arg14[%dma_wait3A_306, %dma_wait3A_307] : memref<10112x8xf32, #tpu.memory_space<vmem_shared>> -> memref<10112x8xf32, #tpu.memory_space<vmem_shared>>
        tpu.wait_indirect_dma semaphore(%arg23 : memref<!tpu.dma_semaphore, #tpu.memory_space<semaphore_mem>>) src(%arg13 : memref<250x8xf32, #tpu.memory_space<vmem>>) dst(%dma_wait3A_308 : memref<10112x8xf32, #tpu.memory_space<vmem_shared>>)
      } else {
      }
      %dma_start3A_115 = arith.constant 0 : i32
      %dma_start3A_116 = tpu.memref_slice %arg10[%add3A_90, %dma_start3A_115] : memref<40x250xi32, #tpu.memory_space<vmem>> -> memref<1x250xi32, #tpu.memory_space<vmem>>
      %dma_start3A_117 = tpu.memref_squeeze %dma_start3A_116 : memref<1x250xi32, #tpu.memory_space<vmem>> -> memref<250xi32, #tpu.memory_space<vmem>>
      %dma_start3A_118 = arith.constant 0 : i32
      %dma_start3A_119 = arith.constant 0 : i32
      %dma_start3A_120 = tpu.memref_slice %arg14[%dma_start3A_118, %dma_start3A_119] : memref<10112x8xf32, #tpu.memory_space<vmem_shared>> -> memref<10112x8xf32, #tpu.memory_space<vmem_shared>>
      tpu.enqueue_indirect_dma source(%arg13 : memref<250x8xf32, #tpu.memory_space<vmem>>) target(%dma_start3A_120 : memref<10112x8xf32, #tpu.memory_space<vmem_shared>>) offsets(%dma_start3A_117 : memref<250xi32, #tpu.memory_space<vmem>>) semaphore(%arg23 : memref<!tpu.dma_semaphore, #tpu.memory_space<semaphore_mem>>) {add = true}
      %dma_wait3A_121 = arith.constant 0 : i32
      %dma_wait3A_122 = arith.constant 0 : i32
      %dma_wait3A_123 = arith.constant 0 : i32
      %dma_wait3A_124 = tpu.memref_slice %arg11[%dma_wait3A_121, %dma_wait3A_122, %dma_wait3A_123] : memref<4x250x32xf32, #tpu.memory_space<vmem>> -> memref<1x250x32xf32, #tpu.memory_space<vmem>>
      %dma_wait3A_125 = tpu.memref_squeeze %dma_wait3A_124 : memref<1x250x32xf32, #tpu.memory_space<vmem>> -> memref<250x32xf32, #tpu.memory_space<vmem>>
      %dma_wait3A_126 = arith.constant 0 : i32
      %dma_wait3A_127 = tpu.memref_slice %arg10[%add3A_90, %dma_wait3A_126] : memref<40x250xi32, #tpu.memory_space<vmem>> -> memref<1x250xi32, #tpu.memory_space<vmem>>
      %dma_wait3A_128 = tpu.memref_squeeze %dma_wait3A_127 : memref<1x250xi32, #tpu.memory_space<vmem>> -> memref<250xi32, #tpu.memory_space<vmem>>
      %dma_wait3A_129 = arith.constant 0 : i32
      %dma_wait3A_130 = arith.constant 0 : i32
      %dma_wait3A_131 = tpu.memref_slice %arg12[%dma_wait3A_129, %dma_wait3A_130] : memref<10112x32xf32, #tpu.memory_space<vmem_shared>> -> memref<10112x32xf32, #tpu.memory_space<vmem_shared>>
      tpu.wait_indirect_dma semaphore(%arg19 : memref<!tpu.dma_semaphore, #tpu.memory_space<semaphore_mem>>) src(%dma_wait3A_125 : memref<250x32xf32, #tpu.memory_space<vmem>>) dst(%dma_wait3A_131 : memref<10112x32xf32, #tpu.memory_space<vmem_shared>>)
      %add3A_132 = arith.constant 4 : i32
      %add3A_133 = arith.addi %add3A_90, %add3A_132 : i32
      %lt3A = arith.constant 40 : i32
      %lt3A_134 = arith.cmpi slt, %add3A_133, %lt3A : i32
      %convert_element_type3A_135 = arith.extui %lt3A_134 : i1 to i32
      %cond3A_136 = arith.constant 0 : i32
      %cond3A_137 = arith.cmpi ne, %convert_element_type3A_135, %cond3A_136 : i32
      scf.if %cond3A_137 {
        %add3A_303 = arith.constant 4 : i32
        %add3A_304 = arith.addi %add3A_90, %add3A_303 : i32
        %dma_start3A_305 = arith.constant 0 : i32
        %dma_start3A_306 = arith.constant 0 : i32
        %dma_start3A_307 = arith.constant 0 : i32
        %dma_start3A_308 = tpu.memref_slice %arg11[%dma_start3A_305, %dma_start3A_306, %dma_start3A_307] : memref<4x250x32xf32, #tpu.memory_space<vmem>> -> memref<1x250x32xf32, #tpu.memory_space<vmem>>
        %dma_start3A_309 = tpu.memref_squeeze %dma_start3A_308 : memref<1x250x32xf32, #tpu.memory_space<vmem>> -> memref<250x32xf32, #tpu.memory_space<vmem>>
        %dma_start3A_310 = arith.constant 0 : i32
        %dma_start3A_311 = tpu.memref_slice %arg9[%add3A_304, %dma_start3A_310] : memref<40x250xi32, #tpu.memory_space<vmem>> -> memref<1x250xi32, #tpu.memory_space<vmem>>
        %dma_start3A_312 = tpu.memref_squeeze %dma_start3A_311 : memref<1x250xi32, #tpu.memory_space<vmem>> -> memref<250xi32, #tpu.memory_space<vmem>>
        %dma_start3A_313 = arith.constant 0 : i32
        %dma_start3A_314 = arith.constant 0 : i32
        %dma_start3A_315 = tpu.memref_slice %arg2[%dma_start3A_313, %dma_start3A_314] : memref<10000x32xf32, #tpu.memory_space<hbm>> -> memref<10000x32xf32, #tpu.memory_space<hbm>>
        tpu.enqueue_indirect_dma source(%dma_start3A_315 : memref<10000x32xf32, #tpu.memory_space<hbm>>) target(%dma_start3A_309 : memref<250x32xf32, #tpu.memory_space<vmem>>) offsets(%dma_start3A_312 : memref<250xi32, #tpu.memory_space<vmem>>) semaphore(%arg15 : memref<!tpu.dma_semaphore, #tpu.memory_space<semaphore_mem>>)
      } else {
      }
      %mul3A_138 = arith.constant 4 : i32
      %mul3A_139 = arith.muli %scan3A_86, %mul3A_138 : i32
      %add3A_140 = arith.constant 1 : i32
      %add3A_141 = arith.addi %mul3A_139, %add3A_140 : i32
      %dma_wait3A_142 = arith.constant 1 : i32
      %dma_wait3A_143 = arith.constant 0 : i32
      %dma_wait3A_144 = arith.constant 0 : i32
      %dma_wait3A_145 = tpu.memref_slice %arg11[%dma_wait3A_142, %dma_wait3A_143, %dma_wait3A_144] : memref<4x250x32xf32, #tpu.memory_space<vmem>> -> memref<1x250x32xf32, #tpu.memory_space<vmem>>
      %dma_wait3A_146 = tpu.memref_squeeze %dma_wait3A_145 : memref<1x250x32xf32, #tpu.memory_space<vmem>> -> memref<250x32xf32, #tpu.memory_space<vmem>>
      %dma_wait3A_147 = arith.constant 0 : i32
      %dma_wait3A_148 = tpu.memref_slice %arg9[%add3A_141, %dma_wait3A_147] : memref<40x250xi32, #tpu.memory_space<vmem>> -> memref<1x250xi32, #tpu.memory_space<vmem>>
      %dma_wait3A_149 = tpu.memref_squeeze %dma_wait3A_148 : memref<1x250xi32, #tpu.memory_space<vmem>> -> memref<250xi32, #tpu.memory_space<vmem>>
      %dma_wait3A_150 = arith.constant 0 : i32
      %dma_wait3A_151 = arith.constant 0 : i32
      %dma_wait3A_152 = tpu.memref_slice %arg2[%dma_wait3A_150, %dma_wait3A_151] : memref<10000x32xf32, #tpu.memory_space<hbm>> -> memref<10000x32xf32, #tpu.memory_space<hbm>>
      tpu.wait_indirect_dma semaphore(%arg16 : memref<!tpu.dma_semaphore, #tpu.memory_space<semaphore_mem>>) src(%dma_wait3A_152 : memref<10000x32xf32, #tpu.memory_space<hbm>>) dst(%dma_wait3A_146 : memref<250x32xf32, #tpu.memory_space<vmem>>)
      %dma_start3A_153 = arith.constant 1 : i32
      %dma_start3A_154 = arith.constant 0 : i32
      %dma_start3A_155 = arith.constant 0 : i32
      %dma_start3A_156 = tpu.memref_slice %arg11[%dma_start3A_153, %dma_start3A_154, %dma_start3A_155] : memref<4x250x32xf32, #tpu.memory_space<vmem>> -> memref<1x250x32xf32, #tpu.memory_space<vmem>>
      %dma_start3A_157 = tpu.memref_squeeze %dma_start3A_156 : memref<1x250x32xf32, #tpu.memory_space<vmem>> -> memref<250x32xf32, #tpu.memory_space<vmem>>
      %dma_start3A_158 = arith.constant 0 : i32
      %dma_start3A_159 = tpu.memref_slice %arg10[%add3A_141, %dma_start3A_158] : memref<40x250xi32, #tpu.memory_space<vmem>> -> memref<1x250xi32, #tpu.memory_space<vmem>>
      %dma_start3A_160 = tpu.memref_squeeze %dma_start3A_159 : memref<1x250xi32, #tpu.memory_space<vmem>> -> memref<250xi32, #tpu.memory_space<vmem>>
      %dma_start3A_161 = arith.constant 0 : i32
      %dma_start3A_162 = arith.constant 0 : i32
      %dma_start3A_163 = tpu.memref_slice %arg12[%dma_start3A_161, %dma_start3A_162] : memref<10112x32xf32, #tpu.memory_space<vmem_shared>> -> memref<10112x32xf32, #tpu.memory_space<vmem_shared>>
      tpu.enqueue_indirect_dma source(%dma_start3A_157 : memref<250x32xf32, #tpu.memory_space<vmem>>) target(%dma_start3A_163 : memref<10112x32xf32, #tpu.memory_space<vmem_shared>>) offsets(%dma_start3A_160 : memref<250xi32, #tpu.memory_space<vmem>>) semaphore(%arg20 : memref<!tpu.dma_semaphore, #tpu.memory_space<semaphore_mem>>) {add = true}
      %ge3A_164 = arith.constant 4 : i32
      %ge3A_165 = arith.cmpi sge, %add3A_141, %ge3A_164 : i32
      %convert_element_type3A_166 = arith.extui %ge3A_165 : i1 to i32
      %cond3A_167 = arith.constant 0 : i32
      %cond3A_168 = arith.cmpi ne, %convert_element_type3A_166, %cond3A_167 : i32
      scf.if %cond3A_168 {
        %dma_wait3A_303 = arith.constant 0 : i32
        %dma_wait3A_304 = tpu.memref_slice %arg10[%add3A_141, %dma_wait3A_303] : memref<40x250xi32, #tpu.memory_space<vmem>> -> memref<1x250xi32, #tpu.memory_space<vmem>>
        %dma_wait3A_305 = tpu.memref_squeeze %dma_wait3A_304 : memref<1x250xi32, #tpu.memory_space<vmem>> -> memref<250xi32, #tpu.memory_space<vmem>>
        %dma_wait3A_306 = arith.constant 0 : i32
        %dma_wait3A_307 = arith.constant 0 : i32
        %dma_wait3A_308 = tpu.memref_slice %arg14[%dma_wait3A_306, %dma_wait3A_307] : memref<10112x8xf32, #tpu.memory_space<vmem_shared>> -> memref<10112x8xf32, #tpu.memory_space<vmem_shared>>
        tpu.wait_indirect_dma semaphore(%arg24 : memref<!tpu.dma_semaphore, #tpu.memory_space<semaphore_mem>>) src(%arg13 : memref<250x8xf32, #tpu.memory_space<vmem>>) dst(%dma_wait3A_308 : memref<10112x8xf32, #tpu.memory_space<vmem_shared>>)
      } else {
      }
      %dma_start3A_169 = arith.constant 0 : i32
      %dma_start3A_170 = tpu.memref_slice %arg10[%add3A_141, %dma_start3A_169] : memref<40x250xi32, #tpu.memory_space<vmem>> -> memref<1x250xi32, #tpu.memory_space<vmem>>
      %dma_start3A_171 = tpu.memref_squeeze %dma_start3A_170 : memref<1x250xi32, #tpu.memory_space<vmem>> -> memref<250xi32, #tpu.memory_space<vmem>>
      %dma_start3A_172 = arith.constant 0 : i32
      %dma_start3A_173 = arith.constant 0 : i32
      %dma_start3A_174 = tpu.memref_slice %arg14[%dma_start3A_172, %dma_start3A_173] : memref<10112x8xf32, #tpu.memory_space<vmem_shared>> -> memref<10112x8xf32, #tpu.memory_space<vmem_shared>>
      tpu.enqueue_indirect_dma source(%arg13 : memref<250x8xf32, #tpu.memory_space<vmem>>) target(%dma_start3A_174 : memref<10112x8xf32, #tpu.memory_space<vmem_shared>>) offsets(%dma_start3A_171 : memref<250xi32, #tpu.memory_space<vmem>>) semaphore(%arg24 : memref<!tpu.dma_semaphore, #tpu.memory_space<semaphore_mem>>) {add = true}
      %dma_wait3A_175 = arith.constant 1 : i32
      %dma_wait3A_176 = arith.constant 0 : i32
      %dma_wait3A_177 = arith.constant 0 : i32
      %dma_wait3A_178 = tpu.memref_slice %arg11[%dma_wait3A_175, %dma_wait3A_176, %dma_wait3A_177] : memref<4x250x32xf32, #tpu.memory_space<vmem>> -> memref<1x250x32xf32, #tpu.memory_space<vmem>>
      %dma_wait3A_179 = tpu.memref_squeeze %dma_wait3A_178 : memref<1x250x32xf32, #tpu.memory_space<vmem>> -> memref<250x32xf32, #tpu.memory_space<vmem>>
      %dma_wait3A_180 = arith.constant 0 : i32
      %dma_wait3A_181 = tpu.memref_slice %arg10[%add3A_141, %dma_wait3A_180] : memref<40x250xi32, #tpu.memory_space<vmem>> -> memref<1x250xi32, #tpu.memory_space<vmem>>
      %dma_wait3A_182 = tpu.memref_squeeze %dma_wait3A_181 : memref<1x250xi32, #tpu.memory_space<vmem>> -> memref<250xi32, #tpu.memory_space<vmem>>
      %dma_wait3A_183 = arith.constant 0 : i32
      %dma_wait3A_184 = arith.constant 0 : i32
      %dma_wait3A_185 = tpu.memref_slice %arg12[%dma_wait3A_183, %dma_wait3A_184] : memref<10112x32xf32, #tpu.memory_space<vmem_shared>> -> memref<10112x32xf32, #tpu.memory_space<vmem_shared>>
      tpu.wait_indirect_dma semaphore(%arg20 : memref<!tpu.dma_semaphore, #tpu.memory_space<semaphore_mem>>) src(%dma_wait3A_179 : memref<250x32xf32, #tpu.memory_space<vmem>>) dst(%dma_wait3A_185 : memref<10112x32xf32, #tpu.memory_space<vmem_shared>>)
      %add3A_186 = arith.constant 4 : i32
      %add3A_187 = arith.addi %add3A_141, %add3A_186 : i32
      %lt3A_188 = arith.constant 40 : i32
      %lt3A_189 = arith.cmpi slt, %add3A_187, %lt3A_188 : i32
      %convert_element_type3A_190 = arith.extui %lt3A_189 : i1 to i32
      %cond3A_191 = arith.constant 0 : i32
      %cond3A_192 = arith.cmpi ne, %convert_element_type3A_190, %cond3A_191 : i32
      scf.if %cond3A_192 {
        %add3A_303 = arith.constant 4 : i32
        %add3A_304 = arith.addi %add3A_141, %add3A_303 : i32
        %dma_start3A_305 = arith.constant 1 : i32
        %dma_start3A_306 = arith.constant 0 : i32
        %dma_start3A_307 = arith.constant 0 : i32
        %dma_start3A_308 = tpu.memref_slice %arg11[%dma_start3A_305, %dma_start3A_306, %dma_start3A_307] : memref<4x250x32xf32, #tpu.memory_space<vmem>> -> memref<1x250x32xf32, #tpu.memory_space<vmem>>
        %dma_start3A_309 = tpu.memref_squeeze %dma_start3A_308 : memref<1x250x32xf32, #tpu.memory_space<vmem>> -> memref<250x32xf32, #tpu.memory_space<vmem>>
        %dma_start3A_310 = arith.constant 0 : i32
        %dma_start3A_311 = tpu.memref_slice %arg9[%add3A_304, %dma_start3A_310] : memref<40x250xi32, #tpu.memory_space<vmem>> -> memref<1x250xi32, #tpu.memory_space<vmem>>
        %dma_start3A_312 = tpu.memref_squeeze %dma_start3A_311 : memref<1x250xi32, #tpu.memory_space<vmem>> -> memref<250xi32, #tpu.memory_space<vmem>>
        %dma_start3A_313 = arith.constant 0 : i32
        %dma_start3A_314 = arith.constant 0 : i32
        %dma_start3A_315 = tpu.memref_slice %arg2[%dma_start3A_313, %dma_start3A_314] : memref<10000x32xf32, #tpu.memory_space<hbm>> -> memref<10000x32xf32, #tpu.memory_space<hbm>>
        tpu.enqueue_indirect_dma source(%dma_start3A_315 : memref<10000x32xf32, #tpu.memory_space<hbm>>) target(%dma_start3A_309 : memref<250x32xf32, #tpu.memory_space<vmem>>) offsets(%dma_start3A_312 : memref<250xi32, #tpu.memory_space<vmem>>) semaphore(%arg16 : memref<!tpu.dma_semaphore, #tpu.memory_space<semaphore_mem>>)
      } else {
      }
      %mul3A_193 = arith.constant 4 : i32
      %mul3A_194 = arith.muli %scan3A_86, %mul3A_193 : i32
      %add3A_195 = arith.constant 2 : i32
      %add3A_196 = arith.addi %mul3A_194, %add3A_195 : i32
      %dma_wait3A_197 = arith.constant 2 : i32
      %dma_wait3A_198 = arith.constant 0 : i32
      %dma_wait3A_199 = arith.constant 0 : i32
      %dma_wait3A_200 = tpu.memref_slice %arg11[%dma_wait3A_197, %dma_wait3A_198, %dma_wait3A_199] : memref<4x250x32xf32, #tpu.memory_space<vmem>> -> memref<1x250x32xf32, #tpu.memory_space<vmem>>
      %dma_wait3A_201 = tpu.memref_squeeze %dma_wait3A_200 : memref<1x250x32xf32, #tpu.memory_space<vmem>> -> memref<250x32xf32, #tpu.memory_space<vmem>>
      %dma_wait3A_202 = arith.constant 0 : i32
      %dma_wait3A_203 = tpu.memref_slice %arg9[%add3A_196, %dma_wait3A_202] : memref<40x250xi32, #tpu.memory_space<vmem>> -> memref<1x250xi32, #tpu.memory_space<vmem>>
      %dma_wait3A_204 = tpu.memref_squeeze %dma_wait3A_203 : memref<1x250xi32, #tpu.memory_space<vmem>> -> memref<250xi32, #tpu.memory_space<vmem>>
      %dma_wait3A_205 = arith.constant 0 : i32
      %dma_wait3A_206 = arith.constant 0 : i32
      %dma_wait3A_207 = tpu.memref_slice %arg2[%dma_wait3A_205, %dma_wait3A_206] : memref<10000x32xf32, #tpu.memory_space<hbm>> -> memref<10000x32xf32, #tpu.memory_space<hbm>>
      tpu.wait_indirect_dma semaphore(%arg17 : memref<!tpu.dma_semaphore, #tpu.memory_space<semaphore_mem>>) src(%dma_wait3A_207 : memref<10000x32xf32, #tpu.memory_space<hbm>>) dst(%dma_wait3A_201 : memref<250x32xf32, #tpu.memory_space<vmem>>)
      %dma_start3A_208 = arith.constant 2 : i32
      %dma_start3A_209 = arith.constant 0 : i32
      %dma_start3A_210 = arith.constant 0 : i32
      %dma_start3A_211 = tpu.memref_slice %arg11[%dma_start3A_208, %dma_start3A_209, %dma_start3A_210] : memref<4x250x32xf32, #tpu.memory_space<vmem>> -> memref<1x250x32xf32, #tpu.memory_space<vmem>>
      %dma_start3A_212 = tpu.memref_squeeze %dma_start3A_211 : memref<1x250x32xf32, #tpu.memory_space<vmem>> -> memref<250x32xf32, #tpu.memory_space<vmem>>
      %dma_start3A_213 = arith.constant 0 : i32
      %dma_start3A_214 = tpu.memref_slice %arg10[%add3A_196, %dma_start3A_213] : memref<40x250xi32, #tpu.memory_space<vmem>> -> memref<1x250xi32, #tpu.memory_space<vmem>>
      %dma_start3A_215 = tpu.memref_squeeze %dma_start3A_214 : memref<1x250xi32, #tpu.memory_space<vmem>> -> memref<250xi32, #tpu.memory_space<vmem>>
      %dma_start3A_216 = arith.constant 0 : i32
      %dma_start3A_217 = arith.constant 0 : i32
      %dma_start3A_218 = tpu.memref_slice %arg12[%dma_start3A_216, %dma_start3A_217] : memref<10112x32xf32, #tpu.memory_space<vmem_shared>> -> memref<10112x32xf32, #tpu.memory_space<vmem_shared>>
      tpu.enqueue_indirect_dma source(%dma_start3A_212 : memref<250x32xf32, #tpu.memory_space<vmem>>) target(%dma_start3A_218 : memref<10112x32xf32, #tpu.memory_space<vmem_shared>>) offsets(%dma_start3A_215 : memref<250xi32, #tpu.memory_space<vmem>>) semaphore(%arg21 : memref<!tpu.dma_semaphore, #tpu.memory_space<semaphore_mem>>) {add = true}
      %ge3A_219 = arith.constant 4 : i32
      %ge3A_220 = arith.cmpi sge, %add3A_196, %ge3A_219 : i32
      %convert_element_type3A_221 = arith.extui %ge3A_220 : i1 to i32
      %cond3A_222 = arith.constant 0 : i32
      %cond3A_223 = arith.cmpi ne, %convert_element_type3A_221, %cond3A_222 : i32
      scf.if %cond3A_223 {
        %dma_wait3A_303 = arith.constant 0 : i32
        %dma_wait3A_304 = tpu.memref_slice %arg10[%add3A_196, %dma_wait3A_303] : memref<40x250xi32, #tpu.memory_space<vmem>> -> memref<1x250xi32, #tpu.memory_space<vmem>>
        %dma_wait3A_305 = tpu.memref_squeeze %dma_wait3A_304 : memref<1x250xi32, #tpu.memory_space<vmem>> -> memref<250xi32, #tpu.memory_space<vmem>>
        %dma_wait3A_306 = arith.constant 0 : i32
        %dma_wait3A_307 = arith.constant 0 : i32
        %dma_wait3A_308 = tpu.memref_slice %arg14[%dma_wait3A_306, %dma_wait3A_307] : memref<10112x8xf32, #tpu.memory_space<vmem_shared>> -> memref<10112x8xf32, #tpu.memory_space<vmem_shared>>
        tpu.wait_indirect_dma semaphore(%arg25 : memref<!tpu.dma_semaphore, #tpu.memory_space<semaphore_mem>>) src(%arg13 : memref<250x8xf32, #tpu.memory_space<vmem>>) dst(%dma_wait3A_308 : memref<10112x8xf32, #tpu.memory_space<vmem_shared>>)
      } else {
      }
      %dma_start3A_224 = arith.constant 0 : i32
      %dma_start3A_225 = tpu.memref_slice %arg10[%add3A_196, %dma_start3A_224] : memref<40x250xi32, #tpu.memory_space<vmem>> -> memref<1x250xi32, #tpu.memory_space<vmem>>
      %dma_start3A_226 = tpu.memref_squeeze %dma_start3A_225 : memref<1x250xi32, #tpu.memory_space<vmem>> -> memref<250xi32, #tpu.memory_space<vmem>>
      %dma_start3A_227 = arith.constant 0 : i32
      %dma_start3A_228 = arith.constant 0 : i32
      %dma_start3A_229 = tpu.memref_slice %arg14[%dma_start3A_227, %dma_start3A_228] : memref<10112x8xf32, #tpu.memory_space<vmem_shared>> -> memref<10112x8xf32, #tpu.memory_space<vmem_shared>>
      tpu.enqueue_indirect_dma source(%arg13 : memref<250x8xf32, #tpu.memory_space<vmem>>) target(%dma_start3A_229 : memref<10112x8xf32, #tpu.memory_space<vmem_shared>>) offsets(%dma_start3A_226 : memref<250xi32, #tpu.memory_space<vmem>>) semaphore(%arg25 : memref<!tpu.dma_semaphore, #tpu.memory_space<semaphore_mem>>) {add = true}
      %dma_wait3A_230 = arith.constant 2 : i32
      %dma_wait3A_231 = arith.constant 0 : i32
      %dma_wait3A_232 = arith.constant 0 : i32
      %dma_wait3A_233 = tpu.memref_slice %arg11[%dma_wait3A_230, %dma_wait3A_231, %dma_wait3A_232] : memref<4x250x32xf32, #tpu.memory_space<vmem>> -> memref<1x250x32xf32, #tpu.memory_space<vmem>>
      %dma_wait3A_234 = tpu.memref_squeeze %dma_wait3A_233 : memref<1x250x32xf32, #tpu.memory_space<vmem>> -> memref<250x32xf32, #tpu.memory_space<vmem>>
      %dma_wait3A_235 = arith.constant 0 : i32
      %dma_wait3A_236 = tpu.memref_slice %arg10[%add3A_196, %dma_wait3A_235] : memref<40x250xi32, #tpu.memory_space<vmem>> -> memref<1x250xi32, #tpu.memory_space<vmem>>
      %dma_wait3A_237 = tpu.memref_squeeze %dma_wait3A_236 : memref<1x250xi32, #tpu.memory_space<vmem>> -> memref<250xi32, #tpu.memory_space<vmem>>
      %dma_wait3A_238 = arith.constant 0 : i32
      %dma_wait3A_239 = arith.constant 0 : i32
      %dma_wait3A_240 = tpu.memref_slice %arg12[%dma_wait3A_238, %dma_wait3A_239] : memref<10112x32xf32, #tpu.memory_space<vmem_shared>> -> memref<10112x32xf32, #tpu.memory_space<vmem_shared>>
      tpu.wait_indirect_dma semaphore(%arg21 : memref<!tpu.dma_semaphore, #tpu.memory_space<semaphore_mem>>) src(%dma_wait3A_234 : memref<250x32xf32, #tpu.memory_space<vmem>>) dst(%dma_wait3A_240 : memref<10112x32xf32, #tpu.memory_space<vmem_shared>>)
      %add3A_241 = arith.constant 4 : i32
      %add3A_242 = arith.addi %add3A_196, %add3A_241 : i32
      %lt3A_243 = arith.constant 40 : i32
      %lt3A_244 = arith.cmpi slt, %add3A_242, %lt3A_243 : i32
      %convert_element_type3A_245 = arith.extui %lt3A_244 : i1 to i32
      %cond3A_246 = arith.constant 0 : i32
      %cond3A_247 = arith.cmpi ne, %convert_element_type3A_245, %cond3A_246 : i32
      scf.if %cond3A_247 {
        %add3A_303 = arith.constant 4 : i32
        %add3A_304 = arith.addi %add3A_196, %add3A_303 : i32
        %dma_start3A_305 = arith.constant 2 : i32
        %dma_start3A_306 = arith.constant 0 : i32
        %dma_start3A_307 = arith.constant 0 : i32
        %dma_start3A_308 = tpu.memref_slice %arg11[%dma_start3A_305, %dma_start3A_306, %dma_start3A_307] : memref<4x250x32xf32, #tpu.memory_space<vmem>> -> memref<1x250x32xf32, #tpu.memory_space<vmem>>
        %dma_start3A_309 = tpu.memref_squeeze %dma_start3A_308 : memref<1x250x32xf32, #tpu.memory_space<vmem>> -> memref<250x32xf32, #tpu.memory_space<vmem>>
        %dma_start3A_310 = arith.constant 0 : i32
        %dma_start3A_311 = tpu.memref_slice %arg9[%add3A_304, %dma_start3A_310] : memref<40x250xi32, #tpu.memory_space<vmem>> -> memref<1x250xi32, #tpu.memory_space<vmem>>
        %dma_start3A_312 = tpu.memref_squeeze %dma_start3A_311 : memref<1x250xi32, #tpu.memory_space<vmem>> -> memref<250xi32, #tpu.memory_space<vmem>>
        %dma_start3A_313 = arith.constant 0 : i32
        %dma_start3A_314 = arith.constant 0 : i32
        %dma_start3A_315 = tpu.memref_slice %arg2[%dma_start3A_313, %dma_start3A_314] : memref<10000x32xf32, #tpu.memory_space<hbm>> -> memref<10000x32xf32, #tpu.memory_space<hbm>>
        tpu.enqueue_indirect_dma source(%dma_start3A_315 : memref<10000x32xf32, #tpu.memory_space<hbm>>) target(%dma_start3A_309 : memref<250x32xf32, #tpu.memory_space<vmem>>) offsets(%dma_start3A_312 : memref<250xi32, #tpu.memory_space<vmem>>) semaphore(%arg17 : memref<!tpu.dma_semaphore, #tpu.memory_space<semaphore_mem>>)
      } else {
      }
      %mul3A_248 = arith.constant 4 : i32
      %mul3A_249 = arith.muli %scan3A_86, %mul3A_248 : i32
      %add3A_250 = arith.constant 3 : i32
      %add3A_251 = arith.addi %mul3A_249, %add3A_250 : i32
      %dma_wait3A_252 = arith.constant 3 : i32
      %dma_wait3A_253 = arith.constant 0 : i32
      %dma_wait3A_254 = arith.constant 0 : i32
      %dma_wait3A_255 = tpu.memref_slice %arg11[%dma_wait3A_252, %dma_wait3A_253, %dma_wait3A_254] : memref<4x250x32xf32, #tpu.memory_space<vmem>> -> memref<1x250x32xf32, #tpu.memory_space<vmem>>
      %dma_wait3A_256 = tpu.memref_squeeze %dma_wait3A_255 : memref<1x250x32xf32, #tpu.memory_space<vmem>> -> memref<250x32xf32, #tpu.memory_space<vmem>>
      %dma_wait3A_257 = arith.constant 0 : i32
      %dma_wait3A_258 = tpu.memref_slice %arg9[%add3A_251, %dma_wait3A_257] : memref<40x250xi32, #tpu.memory_space<vmem>> -> memref<1x250xi32, #tpu.memory_space<vmem>>
      %dma_wait3A_259 = tpu.memref_squeeze %dma_wait3A_258 : memref<1x250xi32, #tpu.memory_space<vmem>> -> memref<250xi32, #tpu.memory_space<vmem>>
      %dma_wait3A_260 = arith.constant 0 : i32
      %dma_wait3A_261 = arith.constant 0 : i32
      %dma_wait3A_262 = tpu.memref_slice %arg2[%dma_wait3A_260, %dma_wait3A_261] : memref<10000x32xf32, #tpu.memory_space<hbm>> -> memref<10000x32xf32, #tpu.memory_space<hbm>>
      tpu.wait_indirect_dma semaphore(%arg18 : memref<!tpu.dma_semaphore, #tpu.memory_space<semaphore_mem>>) src(%dma_wait3A_262 : memref<10000x32xf32, #tpu.memory_space<hbm>>) dst(%dma_wait3A_256 : memref<250x32xf32, #tpu.memory_space<vmem>>)
      %dma_start3A_263 = arith.constant 3 : i32
      %dma_start3A_264 = arith.constant 0 : i32
      %dma_start3A_265 = arith.constant 0 : i32
      %dma_start3A_266 = tpu.memref_slice %arg11[%dma_start3A_263, %dma_start3A_264, %dma_start3A_265] : memref<4x250x32xf32, #tpu.memory_space<vmem>> -> memref<1x250x32xf32, #tpu.memory_space<vmem>>
      %dma_start3A_267 = tpu.memref_squeeze %dma_start3A_266 : memref<1x250x32xf32, #tpu.memory_space<vmem>> -> memref<250x32xf32, #tpu.memory_space<vmem>>
      %dma_start3A_268 = arith.constant 0 : i32
      %dma_start3A_269 = tpu.memref_slice %arg10[%add3A_251, %dma_start3A_268] : memref<40x250xi32, #tpu.memory_space<vmem>> -> memref<1x250xi32, #tpu.memory_space<vmem>>
      %dma_start3A_270 = tpu.memref_squeeze %dma_start3A_269 : memref<1x250xi32, #tpu.memory_space<vmem>> -> memref<250xi32, #tpu.memory_space<vmem>>
      %dma_start3A_271 = arith.constant 0 : i32
      %dma_start3A_272 = arith.constant 0 : i32
      %dma_start3A_273 = tpu.memref_slice %arg12[%dma_start3A_271, %dma_start3A_272] : memref<10112x32xf32, #tpu.memory_space<vmem_shared>> -> memref<10112x32xf32, #tpu.memory_space<vmem_shared>>
      tpu.enqueue_indirect_dma source(%dma_start3A_267 : memref<250x32xf32, #tpu.memory_space<vmem>>) target(%dma_start3A_273 : memref<10112x32xf32, #tpu.memory_space<vmem_shared>>) offsets(%dma_start3A_270 : memref<250xi32, #tpu.memory_space<vmem>>) semaphore(%arg22 : memref<!tpu.dma_semaphore, #tpu.memory_space<semaphore_mem>>) {add = true}
      %ge3A_274 = arith.constant 4 : i32
      %ge3A_275 = arith.cmpi sge, %add3A_251, %ge3A_274 : i32
      %convert_element_type3A_276 = arith.extui %ge3A_275 : i1 to i32
      %cond3A_277 = arith.constant 0 : i32
      %cond3A_278 = arith.cmpi ne, %convert_element_type3A_276, %cond3A_277 : i32
      scf.if %cond3A_278 {
        %dma_wait3A_303 = arith.constant 0 : i32
        %dma_wait3A_304 = tpu.memref_slice %arg10[%add3A_251, %dma_wait3A_303] : memref<40x250xi32, #tpu.memory_space<vmem>> -> memref<1x250xi32, #tpu.memory_space<vmem>>
        %dma_wait3A_305 = tpu.memref_squeeze %dma_wait3A_304 : memref<1x250xi32, #tpu.memory_space<vmem>> -> memref<250xi32, #tpu.memory_space<vmem>>
        %dma_wait3A_306 = arith.constant 0 : i32
        %dma_wait3A_307 = arith.constant 0 : i32
        %dma_wait3A_308 = tpu.memref_slice %arg14[%dma_wait3A_306, %dma_wait3A_307] : memref<10112x8xf32, #tpu.memory_space<vmem_shared>> -> memref<10112x8xf32, #tpu.memory_space<vmem_shared>>
        tpu.wait_indirect_dma semaphore(%arg26 : memref<!tpu.dma_semaphore, #tpu.memory_space<semaphore_mem>>) src(%arg13 : memref<250x8xf32, #tpu.memory_space<vmem>>) dst(%dma_wait3A_308 : memref<10112x8xf32, #tpu.memory_space<vmem_shared>>)
      } else {
      }
      %dma_start3A_279 = arith.constant 0 : i32
      %dma_start3A_280 = tpu.memref_slice %arg10[%add3A_251, %dma_start3A_279] : memref<40x250xi32, #tpu.memory_space<vmem>> -> memref<1x250xi32, #tpu.memory_space<vmem>>
      %dma_start3A_281 = tpu.memref_squeeze %dma_start3A_280 : memref<1x250xi32, #tpu.memory_space<vmem>> -> memref<250xi32, #tpu.memory_space<vmem>>
      %dma_start3A_282 = arith.constant 0 : i32
      %dma_start3A_283 = arith.constant 0 : i32
      %dma_start3A_284 = tpu.memref_slice %arg14[%dma_start3A_282, %dma_start3A_283] : memref<10112x8xf32, #tpu.memory_space<vmem_shared>> -> memref<10112x8xf32, #tpu.memory_space<vmem_shared>>
      tpu.enqueue_indirect_dma source(%arg13 : memref<250x8xf32, #tpu.memory_space<vmem>>) target(%dma_start3A_284 : memref<10112x8xf32, #tpu.memory_space<vmem_shared>>) offsets(%dma_start3A_281 : memref<250xi32, #tpu.memory_space<vmem>>) semaphore(%arg26 : memref<!tpu.dma_semaphore, #tpu.memory_space<semaphore_mem>>) {add = true}
      %dma_wait3A_285 = arith.constant 3 : i32
      %dma_wait3A_286 = arith.constant 0 : i32
      %dma_wait3A_287 = arith.constant 0 : i32
      %dma_wait3A_288 = tpu.memref_slice %arg11[%dma_wait3A_285, %dma_wait3A_286, %dma_wait3A_287] : memref<4x250x32xf32, #tpu.memory_space<vmem>> -> memref<1x250x32xf32, #tpu.memory_space<vmem>>
      %dma_wait3A_289 = tpu.memref_squeeze %dma_wait3A_288 : memref<1x250x32xf32, #tpu.memory_space<vmem>> -> memref<250x32xf32, #tpu.memory_space<vmem>>
      %dma_wait3A_290 = arith.constant 0 : i32
      %dma_wait3A_291 = tpu.memref_slice %arg10[%add3A_251, %dma_wait3A_290] : memref<40x250xi32, #tpu.memory_space<vmem>> -> memref<1x250xi32, #tpu.memory_space<vmem>>
      %dma_wait3A_292 = tpu.memref_squeeze %dma_wait3A_291 : memref<1x250xi32, #tpu.memory_space<vmem>> -> memref<250xi32, #tpu.memory_space<vmem>>
      %dma_wait3A_293 = arith.constant 0 : i32
      %dma_wait3A_294 = arith.constant 0 : i32
      %dma_wait3A_295 = tpu.memref_slice %arg12[%dma_wait3A_293, %dma_wait3A_294] : memref<10112x32xf32, #tpu.memory_space<vmem_shared>> -> memref<10112x32xf32, #tpu.memory_space<vmem_shared>>
      tpu.wait_indirect_dma semaphore(%arg22 : memref<!tpu.dma_semaphore, #tpu.memory_space<semaphore_mem>>) src(%dma_wait3A_289 : memref<250x32xf32, #tpu.memory_space<vmem>>) dst(%dma_wait3A_295 : memref<10112x32xf32, #tpu.memory_space<vmem_shared>>)
      %add3A_296 = arith.constant 4 : i32
      %add3A_297 = arith.addi %add3A_251, %add3A_296 : i32
      %lt3A_298 = arith.constant 40 : i32
      %lt3A_299 = arith.cmpi slt, %add3A_297, %lt3A_298 : i32
      %convert_element_type3A_300 = arith.extui %lt3A_299 : i1 to i32
      %cond3A_301 = arith.constant 0 : i32
      %cond3A_302 = arith.cmpi ne, %convert_element_type3A_300, %cond3A_301 : i32
      scf.if %cond3A_302 {
        %add3A_303 = arith.constant 4 : i32
        %add3A_304 = arith.addi %add3A_251, %add3A_303 : i32
        %dma_start3A_305 = arith.constant 3 : i32
        %dma_start3A_306 = arith.constant 0 : i32
        %dma_start3A_307 = arith.constant 0 : i32
        %dma_start3A_308 = tpu.memref_slice %arg11[%dma_start3A_305, %dma_start3A_306, %dma_start3A_307] : memref<4x250x32xf32, #tpu.memory_space<vmem>> -> memref<1x250x32xf32, #tpu.memory_space<vmem>>
        %dma_start3A_309 = tpu.memref_squeeze %dma_start3A_308 : memref<1x250x32xf32, #tpu.memory_space<vmem>> -> memref<250x32xf32, #tpu.memory_space<vmem>>
        %dma_start3A_310 = arith.constant 0 : i32
        %dma_start3A_311 = tpu.memref_slice %arg9[%add3A_304, %dma_start3A_310] : memref<40x250xi32, #tpu.memory_space<vmem>> -> memref<1x250xi32, #tpu.memory_space<vmem>>
        %dma_start3A_312 = tpu.memref_squeeze %dma_start3A_311 : memref<1x250xi32, #tpu.memory_space<vmem>> -> memref<250xi32, #tpu.memory_space<vmem>>
        %dma_start3A_313 = arith.constant 0 : i32
        %dma_start3A_314 = arith.constant 0 : i32
        %dma_start3A_315 = tpu.memref_slice %arg2[%dma_start3A_313, %dma_start3A_314] : memref<10000x32xf32, #tpu.memory_space<hbm>> -> memref<10000x32xf32, #tpu.memory_space<hbm>>
        tpu.enqueue_indirect_dma source(%dma_start3A_315 : memref<10000x32xf32, #tpu.memory_space<hbm>>) target(%dma_start3A_309 : memref<250x32xf32, #tpu.memory_space<vmem>>) offsets(%dma_start3A_312 : memref<250xi32, #tpu.memory_space<vmem>>) semaphore(%arg18 : memref<!tpu.dma_semaphore, #tpu.memory_space<semaphore_mem>>)
      } else {
      }
    }
    %scan3A_57 = arith.constant 10 : i32
    %dma_wait3A = arith.constant 0 : i32
    %dma_wait3A_58 = arith.constant 0 : i32
    %dma_wait3A_59 = tpu.memref_slice %arg10[%dma_wait3A, %dma_wait3A_58] : memref<40x250xi32, #tpu.memory_space<vmem>> -> memref<1x250xi32, #tpu.memory_space<vmem>>
    %dma_wait3A_60 = tpu.memref_squeeze %dma_wait3A_59 : memref<1x250xi32, #tpu.memory_space<vmem>> -> memref<250xi32, #tpu.memory_space<vmem>>
    %dma_wait3A_61 = arith.constant 0 : i32
    %dma_wait3A_62 = arith.constant 0 : i32
    %dma_wait3A_63 = tpu.memref_slice %arg14[%dma_wait3A_61, %dma_wait3A_62] : memref<10112x8xf32, #tpu.memory_space<vmem_shared>> -> memref<10112x8xf32, #tpu.memory_space<vmem_shared>>
    tpu.wait_indirect_dma semaphore(%arg23 : memref<!tpu.dma_semaphore, #tpu.memory_space<semaphore_mem>>) src(%arg13 : memref<250x8xf32, #tpu.memory_space<vmem>>) dst(%dma_wait3A_63 : memref<10112x8xf32, #tpu.memory_space<vmem_shared>>)
    %dma_wait3A_64 = arith.constant 0 : i32
    %dma_wait3A_65 = arith.constant 0 : i32
    %dma_wait3A_66 = tpu.memref_slice %arg10[%dma_wait3A_64, %dma_wait3A_65] : memref<40x250xi32, #tpu.memory_space<vmem>> -> memref<1x250xi32, #tpu.memory_space<vmem>>
    %dma_wait3A_67 = tpu.memref_squeeze %dma_wait3A_66 : memref<1x250xi32, #tpu.memory_space<vmem>> -> memref<250xi32, #tpu.memory_space<vmem>>
    %dma_wait3A_68 = arith.constant 0 : i32
    %dma_wait3A_69 = arith.constant 0 : i32
    %dma_wait3A_70 = tpu.memref_slice %arg14[%dma_wait3A_68, %dma_wait3A_69] : memref<10112x8xf32, #tpu.memory_space<vmem_shared>> -> memref<10112x8xf32, #tpu.memory_space<vmem_shared>>
    tpu.wait_indirect_dma semaphore(%arg24 : memref<!tpu.dma_semaphore, #tpu.memory_space<semaphore_mem>>) src(%arg13 : memref<250x8xf32, #tpu.memory_space<vmem>>) dst(%dma_wait3A_70 : memref<10112x8xf32, #tpu.memory_space<vmem_shared>>)
    %dma_wait3A_71 = arith.constant 0 : i32
    %dma_wait3A_72 = arith.constant 0 : i32
    %dma_wait3A_73 = tpu.memref_slice %arg10[%dma_wait3A_71, %dma_wait3A_72] : memref<40x250xi32, #tpu.memory_space<vmem>> -> memref<1x250xi32, #tpu.memory_space<vmem>>
    %dma_wait3A_74 = tpu.memref_squeeze %dma_wait3A_73 : memref<1x250xi32, #tpu.memory_space<vmem>> -> memref<250xi32, #tpu.memory_space<vmem>>
    %dma_wait3A_75 = arith.constant 0 : i32
    %dma_wait3A_76 = arith.constant 0 : i32
    %dma_wait3A_77 = tpu.memref_slice %arg14[%dma_wait3A_75, %dma_wait3A_76] : memref<10112x8xf32, #tpu.memory_space<vmem_shared>> -> memref<10112x8xf32, #tpu.memory_space<vmem_shared>>
    tpu.wait_indirect_dma semaphore(%arg25 : memref<!tpu.dma_semaphore, #tpu.memory_space<semaphore_mem>>) src(%arg13 : memref<250x8xf32, #tpu.memory_space<vmem>>) dst(%dma_wait3A_77 : memref<10112x8xf32, #tpu.memory_space<vmem_shared>>)
    %dma_wait3A_78 = arith.constant 0 : i32
    %dma_wait3A_79 = arith.constant 0 : i32
    %dma_wait3A_80 = tpu.memref_slice %arg10[%dma_wait3A_78, %dma_wait3A_79] : memref<40x250xi32, #tpu.memory_space<vmem>> -> memref<1x250xi32, #tpu.memory_space<vmem>>
    %dma_wait3A_81 = tpu.memref_squeeze %dma_wait3A_80 : memref<1x250xi32, #tpu.memory_space<vmem>> -> memref<250xi32, #tpu.memory_space<vmem>>
    %dma_wait3A_82 = arith.constant 0 : i32
    %dma_wait3A_83 = arith.constant 0 : i32
    %dma_wait3A_84 = tpu.memref_slice %arg14[%dma_wait3A_82, %dma_wait3A_83] : memref<10112x8xf32, #tpu.memory_space<vmem_shared>> -> memref<10112x8xf32, #tpu.memory_space<vmem_shared>>
    tpu.wait_indirect_dma semaphore(%arg26 : memref<!tpu.dma_semaphore, #tpu.memory_space<semaphore_mem>>) src(%arg13 : memref<250x8xf32, #tpu.memory_space<vmem>>) dst(%dma_wait3A_84 : memref<10112x8xf32, #tpu.memory_space<vmem_shared>>)
    %barrier3A_85 = arith.constant 0 : index
    tpu.barrier barrier_id(%barrier3A_85)
    "tpu.region"() ({
      %run_scoped3A_86 = tpu.sem_alloc : memref<!tpu.dma_semaphore, #tpu.memory_space<semaphore_mem>>
      %dma_start3A_87 = arith.constant 0 : i32
      %dma_start3A_88 = tpu.memref_slice %arg7[%arg0, %mul3A_0, %dma_start3A_87] : memref<2x10112x32xf32, #tpu.memory_space<hbm>> -> memref<1x632x32xf32, #tpu.memory_space<hbm>>
      %dma_start3A_89 = tpu.memref_squeeze %dma_start3A_88 : memref<1x632x32xf32, #tpu.memory_space<hbm>> -> memref<632x32xf32, #tpu.memory_space<hbm>>
      %dma_start3A_90 = arith.constant 0 : i32
      %dma_start3A_91 = tpu.memref_slice %arg12[%mul3A_0, %dma_start3A_90] : memref<10112x32xf32, #tpu.memory_space<vmem_shared>> -> memref<632x32xf32, #tpu.memory_space<vmem_shared>>
      tpu.enqueue_dma source(%dma_start3A_91 : memref<632x32xf32, #tpu.memory_space<vmem_shared>>) target(%dma_start3A_89 : memref<632x32xf32, #tpu.memory_space<hbm>>) target_semaphore(%run_scoped3A_86 : memref<!tpu.dma_semaphore, #tpu.memory_space<semaphore_mem>>)
      %dma_wait3A_92 = arith.constant 0 : i32
      %dma_wait3A_93 = tpu.memref_slice %arg7[%arg0, %mul3A_0, %dma_wait3A_92] : memref<2x10112x32xf32, #tpu.memory_space<hbm>> -> memref<1x632x32xf32, #tpu.memory_space<hbm>>
      %dma_wait3A_94 = tpu.memref_squeeze %dma_wait3A_93 : memref<1x632x32xf32, #tpu.memory_space<hbm>> -> memref<632x32xf32, #tpu.memory_space<hbm>>
      %dma_wait3A_95 = arith.constant 0 : i32
      %dma_wait3A_96 = tpu.memref_slice %arg12[%mul3A_0, %dma_wait3A_95] : memref<10112x32xf32, #tpu.memory_space<vmem_shared>> -> memref<632x32xf32, #tpu.memory_space<vmem_shared>>
      tpu.wait_dma2 semaphore(%run_scoped3A_86 : memref<!tpu.dma_semaphore, #tpu.memory_space<semaphore_mem>>) src(%dma_wait3A_96 : memref<632x32xf32, #tpu.memory_space<vmem_shared>>) dst(%dma_wait3A_94 : memref<632x32xf32, #tpu.memory_space<hbm>>)
      tpu.yield
    }) : () -> ()
    "tpu.region"() ({
      %run_scoped3A_86 = tpu.sem_alloc : memref<!tpu.dma_semaphore, #tpu.memory_space<semaphore_mem>>
      %dma_start3A_87 = arith.constant 0 : i32
      %dma_start3A_88 = tpu.memref_slice %arg8[%arg0, %mul3A_0, %dma_start3A_87] : memref<2x10112x8xf32, #tpu.memory_space<hbm>> -> memref<1x632x8xf32, #tpu.memory_space<hbm>>
      %dma_start3A_89 = tpu.memref_squeeze %dma_start3A_88 : memref<1x632x8xf32, #tpu.memory_space<hbm>> -> memref<632x8xf32, #tpu.memory_space<hbm>>
      %dma_start3A_90 = arith.constant 0 : i32
      %dma_start3A_91 = tpu.memref_slice %arg14[%mul3A_0, %dma_start3A_90] : memref<10112x8xf32, #tpu.memory_space<vmem_shared>> -> memref<632x8xf32, #tpu.memory_space<vmem_shared>>
      tpu.enqueue_dma source(%dma_start3A_91 : memref<632x8xf32, #tpu.memory_space<vmem_shared>>) target(%dma_start3A_89 : memref<632x8xf32, #tpu.memory_space<hbm>>) target_semaphore(%run_scoped3A_86 : memref<!tpu.dma_semaphore, #tpu.memory_space<semaphore_mem>>)
      %dma_wait3A_92 = arith.constant 0 : i32
      %dma_wait3A_93 = tpu.memref_slice %arg8[%arg0, %mul3A_0, %dma_wait3A_92] : memref<2x10112x8xf32, #tpu.memory_space<hbm>> -> memref<1x632x8xf32, #tpu.memory_space<hbm>>
      %dma_wait3A_94 = tpu.memref_squeeze %dma_wait3A_93 : memref<1x632x8xf32, #tpu.memory_space<hbm>> -> memref<632x8xf32, #tpu.memory_space<hbm>>
      %dma_wait3A_95 = arith.constant 0 : i32
      %dma_wait3A_96 = tpu.memref_slice %arg14[%mul3A_0, %dma_wait3A_95] : memref<10112x8xf32, #tpu.memory_space<vmem_shared>> -> memref<632x8xf32, #tpu.memory_space<vmem_shared>>
      tpu.wait_dma2 semaphore(%run_scoped3A_86 : memref<!tpu.dma_semaphore, #tpu.memory_space<semaphore_mem>>) src(%dma_wait3A_96 : memref<632x8xf32, #tpu.memory_space<vmem_shared>>) dst(%dma_wait3A_94 : memref<632x8xf32, #tpu.memory_space<hbm>>)
      tpu.yield
    }) : () -> ()
    return
  }
}

#map = affine_map<(d0, d1) -> (0, 0)>
#map1 = affine_map<(d0, d1) -> (0, 0, 0)>
module attributes {stable_mosaic.version = 14 : i64} {
  func.func @body(%arg0: i32, %arg1: i32, %arg2: memref<10000x16xf32, #tpu.memory_space<hbm>>, %arg3: memref<2x1280x250xi32, #tpu.memory_space<hbm>>, %arg4: memref<632x16xf32, #tpu.memory_space<hbm>>, %arg5: memref<2x10112x16xf32, #tpu.memory_space<hbm>>, %arg6: memref<40x250xi32, #tpu.memory_space<vmem>>, %arg7: memref<40x250xi32, #tpu.memory_space<vmem>>, %arg8: memref<4x250x16xf32, #tpu.memory_space<vmem>>, %arg9: memref<10112x16xf32, #tpu.memory_space<vmem_shared>>, %arg10: memref<!tpu.dma_semaphore, #tpu.memory_space<semaphore_mem>>, %arg11: memref<!tpu.dma_semaphore, #tpu.memory_space<semaphore_mem>>, %arg12: memref<!tpu.dma_semaphore, #tpu.memory_space<semaphore_mem>>, %arg13: memref<!tpu.dma_semaphore, #tpu.memory_space<semaphore_mem>>, %arg14: memref<!tpu.dma_semaphore, #tpu.memory_space<semaphore_mem>>, %arg15: memref<!tpu.dma_semaphore, #tpu.memory_space<semaphore_mem>>, %arg16: memref<!tpu.dma_semaphore, #tpu.memory_space<semaphore_mem>>, %arg17: memref<!tpu.dma_semaphore, #tpu.memory_space<semaphore_mem>>, %arg18: memref<!tpu.dma_semaphore, #tpu.memory_space<semaphore_mem>>, %arg19: memref<!tpu.dma_semaphore, #tpu.memory_space<semaphore_mem>>, %arg20: memref<!tpu.dma_semaphore, #tpu.memory_space<semaphore_mem>>, %arg21: memref<!tpu.dma_semaphore, #tpu.memory_space<semaphore_mem>>) attributes {dimension_semantics = [#tpu.dimension_semantics<core_parallel>, #tpu.dimension_semantics<subcore_parallel>], iteration_bounds = array<i64: 2, 16>, scalar_prefetch = 0 : i64, scratch_operands = 16 : i64, tpu.core_type = #tpu.core_type<sc_vector_subcore>, window_params = [{transform_indices = #map}, {transform_indices = #map1}, {transform_indices = #map}, {transform_indices = #map1}]} {
    %mul3A = arith.constant 632 : i32
    %mul3A_0 = arith.muli %arg1, %mul3A : i32
    %mul3A_1 = arith.constant 16 : i32
    %mul3A_2 = arith.muli %arg0, %mul3A_1 : i32
    %add3A = arith.addi %mul3A_2, %arg1 : i32
    %mul3A_3 = arith.constant 40 : i32
    %mul3A_4 = arith.muli %add3A, %mul3A_3 : i32
    "tpu.region"() ({
      %run_scoped3A_59 = tpu.sem_alloc : memref<!tpu.dma_semaphore, #tpu.memory_space<semaphore_mem>>
      %dma_start3A_60 = arith.constant 0 : i32
      %dma_start3A_61 = tpu.memref_slice %arg9[%mul3A_0, %dma_start3A_60] : memref<10112x16xf32, #tpu.memory_space<vmem_shared>> -> memref<632x16xf32, #tpu.memory_space<vmem_shared>>
      tpu.enqueue_dma source(%arg4 : memref<632x16xf32, #tpu.memory_space<hbm>>) target(%dma_start3A_61 : memref<632x16xf32, #tpu.memory_space<vmem_shared>>) target_semaphore(%run_scoped3A_59 : memref<!tpu.dma_semaphore, #tpu.memory_space<semaphore_mem>>)
      %dma_wait3A = arith.constant 0 : i32
      %dma_wait3A_62 = tpu.memref_slice %arg9[%mul3A_0, %dma_wait3A] : memref<10112x16xf32, #tpu.memory_space<vmem_shared>> -> memref<632x16xf32, #tpu.memory_space<vmem_shared>>
      tpu.wait_dma2 semaphore(%run_scoped3A_59 : memref<!tpu.dma_semaphore, #tpu.memory_space<semaphore_mem>>) src(%arg4 : memref<632x16xf32, #tpu.memory_space<hbm>>) dst(%dma_wait3A_62 : memref<632x16xf32, #tpu.memory_space<vmem_shared>>)
      tpu.yield
    }) : () -> ()
    %run_scoped3A = arith.constant 0 : i32
    "tpu.region"() ({
      %run_scoped3A_59 = tpu.sem_alloc : memref<!tpu.dma_semaphore, #tpu.memory_space<semaphore_mem>>
      %dma_start3A_60 = arith.constant 0 : i32
      %dma_start3A_61 = tpu.memref_slice %arg3[%run_scoped3A, %mul3A_4, %dma_start3A_60] : memref<2x1280x250xi32, #tpu.memory_space<hbm>> -> memref<1x40x250xi32, #tpu.memory_space<hbm>>
      %dma_start3A_62 = tpu.memref_squeeze %dma_start3A_61 : memref<1x40x250xi32, #tpu.memory_space<hbm>> -> memref<40x250xi32, #tpu.memory_space<hbm>>
      %dma_start3A_63 = arith.constant 0 : i32
      %dma_start3A_64 = tpu.memref_slice %arg3[%run_scoped3A, %mul3A_4, %dma_start3A_63] : memref<2x1280x250xi32, #tpu.memory_space<hbm>> -> memref<1x40x250xi32, #tpu.memory_space<hbm>>
      %dma_start3A_65 = tpu.memref_squeeze %dma_start3A_64 : memref<1x40x250xi32, #tpu.memory_space<hbm>> -> memref<40x250xi32, #tpu.memory_space<hbm>>
      tpu.enqueue_dma source(%dma_start3A_65 : memref<40x250xi32, #tpu.memory_space<hbm>>) target(%arg6 : memref<40x250xi32, #tpu.memory_space<vmem>>) target_semaphore(%run_scoped3A_59 : memref<!tpu.dma_semaphore, #tpu.memory_space<semaphore_mem>>)
      %dma_wait3A = arith.constant 0 : i32
      %dma_wait3A_66 = tpu.memref_slice %arg3[%run_scoped3A, %mul3A_4, %dma_wait3A] : memref<2x1280x250xi32, #tpu.memory_space<hbm>> -> memref<1x40x250xi32, #tpu.memory_space<hbm>>
      %dma_wait3A_67 = tpu.memref_squeeze %dma_wait3A_66 : memref<1x40x250xi32, #tpu.memory_space<hbm>> -> memref<40x250xi32, #tpu.memory_space<hbm>>
      %dma_wait3A_68 = arith.constant 0 : i32
      %dma_wait3A_69 = tpu.memref_slice %arg3[%run_scoped3A, %mul3A_4, %dma_wait3A_68] : memref<2x1280x250xi32, #tpu.memory_space<hbm>> -> memref<1x40x250xi32, #tpu.memory_space<hbm>>
      %dma_wait3A_70 = tpu.memref_squeeze %dma_wait3A_69 : memref<1x40x250xi32, #tpu.memory_space<hbm>> -> memref<40x250xi32, #tpu.memory_space<hbm>>
      tpu.wait_dma2 semaphore(%run_scoped3A_59 : memref<!tpu.dma_semaphore, #tpu.memory_space<semaphore_mem>>) src(%dma_wait3A_70 : memref<40x250xi32, #tpu.memory_space<hbm>>) dst(%arg6 : memref<40x250xi32, #tpu.memory_space<vmem>>)
      tpu.yield
    }) : () -> ()
    %run_scoped3A_5 = arith.constant 1 : i32
    "tpu.region"() ({
      %run_scoped3A_59 = tpu.sem_alloc : memref<!tpu.dma_semaphore, #tpu.memory_space<semaphore_mem>>
      %dma_start3A_60 = arith.constant 0 : i32
      %dma_start3A_61 = tpu.memref_slice %arg3[%run_scoped3A_5, %mul3A_4, %dma_start3A_60] : memref<2x1280x250xi32, #tpu.memory_space<hbm>> -> memref<1x40x250xi32, #tpu.memory_space<hbm>>
      %dma_start3A_62 = tpu.memref_squeeze %dma_start3A_61 : memref<1x40x250xi32, #tpu.memory_space<hbm>> -> memref<40x250xi32, #tpu.memory_space<hbm>>
      %dma_start3A_63 = arith.constant 0 : i32
      %dma_start3A_64 = tpu.memref_slice %arg3[%run_scoped3A_5, %mul3A_4, %dma_start3A_63] : memref<2x1280x250xi32, #tpu.memory_space<hbm>> -> memref<1x40x250xi32, #tpu.memory_space<hbm>>
      %dma_start3A_65 = tpu.memref_squeeze %dma_start3A_64 : memref<1x40x250xi32, #tpu.memory_space<hbm>> -> memref<40x250xi32, #tpu.memory_space<hbm>>
      tpu.enqueue_dma source(%dma_start3A_65 : memref<40x250xi32, #tpu.memory_space<hbm>>) target(%arg7 : memref<40x250xi32, #tpu.memory_space<vmem>>) target_semaphore(%run_scoped3A_59 : memref<!tpu.dma_semaphore, #tpu.memory_space<semaphore_mem>>)
      %dma_wait3A = arith.constant 0 : i32
      %dma_wait3A_66 = tpu.memref_slice %arg3[%run_scoped3A_5, %mul3A_4, %dma_wait3A] : memref<2x1280x250xi32, #tpu.memory_space<hbm>> -> memref<1x40x250xi32, #tpu.memory_space<hbm>>
      %dma_wait3A_67 = tpu.memref_squeeze %dma_wait3A_66 : memref<1x40x250xi32, #tpu.memory_space<hbm>> -> memref<40x250xi32, #tpu.memory_space<hbm>>
      %dma_wait3A_68 = arith.constant 0 : i32
      %dma_wait3A_69 = tpu.memref_slice %arg3[%run_scoped3A_5, %mul3A_4, %dma_wait3A_68] : memref<2x1280x250xi32, #tpu.memory_space<hbm>> -> memref<1x40x250xi32, #tpu.memory_space<hbm>>
      %dma_wait3A_70 = tpu.memref_squeeze %dma_wait3A_69 : memref<1x40x250xi32, #tpu.memory_space<hbm>> -> memref<40x250xi32, #tpu.memory_space<hbm>>
      tpu.wait_dma2 semaphore(%run_scoped3A_59 : memref<!tpu.dma_semaphore, #tpu.memory_space<semaphore_mem>>) src(%dma_wait3A_70 : memref<40x250xi32, #tpu.memory_space<hbm>>) dst(%arg7 : memref<40x250xi32, #tpu.memory_space<vmem>>)
      tpu.yield
    }) : () -> ()
    %dma_start3A = arith.constant 0 : i32
    %dma_start3A_6 = arith.constant 0 : i32
    %dma_start3A_7 = arith.constant 0 : i32
    %dma_start3A_8 = arith.constant 0 : i32
    %dma_start3A_9 = tpu.memref_slice %arg8[%dma_start3A_6, %dma_start3A_7, %dma_start3A_8] : memref<4x250x16xf32, #tpu.memory_space<vmem>> -> memref<1x250x16xf32, #tpu.memory_space<vmem>>
    %dma_start3A_10 = tpu.memref_squeeze %dma_start3A_9 : memref<1x250x16xf32, #tpu.memory_space<vmem>> -> memref<250x16xf32, #tpu.memory_space<vmem>>
    %dma_start3A_11 = arith.constant 0 : i32
    %dma_start3A_12 = tpu.memref_slice %arg6[%dma_start3A, %dma_start3A_11] : memref<40x250xi32, #tpu.memory_space<vmem>> -> memref<1x250xi32, #tpu.memory_space<vmem>>
    %dma_start3A_13 = tpu.memref_squeeze %dma_start3A_12 : memref<1x250xi32, #tpu.memory_space<vmem>> -> memref<250xi32, #tpu.memory_space<vmem>>
    %dma_start3A_14 = arith.constant 0 : i32
    %dma_start3A_15 = arith.constant 0 : i32
    %dma_start3A_16 = tpu.memref_slice %arg2[%dma_start3A_14, %dma_start3A_15] : memref<10000x16xf32, #tpu.memory_space<hbm>> -> memref<10000x16xf32, #tpu.memory_space<hbm>>
    tpu.enqueue_indirect_dma source(%dma_start3A_16 : memref<10000x16xf32, #tpu.memory_space<hbm>>) target(%dma_start3A_10 : memref<250x16xf32, #tpu.memory_space<vmem>>) offsets(%dma_start3A_13 : memref<250xi32, #tpu.memory_space<vmem>>) semaphore(%arg10 : memref<!tpu.dma_semaphore, #tpu.memory_space<semaphore_mem>>)
    %dma_start3A_17 = arith.constant 1 : i32
    %dma_start3A_18 = arith.constant 1 : i32
    %dma_start3A_19 = arith.constant 0 : i32
    %dma_start3A_20 = arith.constant 0 : i32
    %dma_start3A_21 = tpu.memref_slice %arg8[%dma_start3A_18, %dma_start3A_19, %dma_start3A_20] : memref<4x250x16xf32, #tpu.memory_space<vmem>> -> memref<1x250x16xf32, #tpu.memory_space<vmem>>
    %dma_start3A_22 = tpu.memref_squeeze %dma_start3A_21 : memref<1x250x16xf32, #tpu.memory_space<vmem>> -> memref<250x16xf32, #tpu.memory_space<vmem>>
    %dma_start3A_23 = arith.constant 0 : i32
    %dma_start3A_24 = tpu.memref_slice %arg6[%dma_start3A_17, %dma_start3A_23] : memref<40x250xi32, #tpu.memory_space<vmem>> -> memref<1x250xi32, #tpu.memory_space<vmem>>
    %dma_start3A_25 = tpu.memref_squeeze %dma_start3A_24 : memref<1x250xi32, #tpu.memory_space<vmem>> -> memref<250xi32, #tpu.memory_space<vmem>>
    %dma_start3A_26 = arith.constant 0 : i32
    %dma_start3A_27 = arith.constant 0 : i32
    %dma_start3A_28 = tpu.memref_slice %arg2[%dma_start3A_26, %dma_start3A_27] : memref<10000x16xf32, #tpu.memory_space<hbm>> -> memref<10000x16xf32, #tpu.memory_space<hbm>>
    tpu.enqueue_indirect_dma source(%dma_start3A_28 : memref<10000x16xf32, #tpu.memory_space<hbm>>) target(%dma_start3A_22 : memref<250x16xf32, #tpu.memory_space<vmem>>) offsets(%dma_start3A_25 : memref<250xi32, #tpu.memory_space<vmem>>) semaphore(%arg11 : memref<!tpu.dma_semaphore, #tpu.memory_space<semaphore_mem>>)
    %dma_start3A_29 = arith.constant 2 : i32
    %dma_start3A_30 = arith.constant 2 : i32
    %dma_start3A_31 = arith.constant 0 : i32
    %dma_start3A_32 = arith.constant 0 : i32
    %dma_start3A_33 = tpu.memref_slice %arg8[%dma_start3A_30, %dma_start3A_31, %dma_start3A_32] : memref<4x250x16xf32, #tpu.memory_space<vmem>> -> memref<1x250x16xf32, #tpu.memory_space<vmem>>
    %dma_start3A_34 = tpu.memref_squeeze %dma_start3A_33 : memref<1x250x16xf32, #tpu.memory_space<vmem>> -> memref<250x16xf32, #tpu.memory_space<vmem>>
    %dma_start3A_35 = arith.constant 0 : i32
    %dma_start3A_36 = tpu.memref_slice %arg6[%dma_start3A_29, %dma_start3A_35] : memref<40x250xi32, #tpu.memory_space<vmem>> -> memref<1x250xi32, #tpu.memory_space<vmem>>
    %dma_start3A_37 = tpu.memref_squeeze %dma_start3A_36 : memref<1x250xi32, #tpu.memory_space<vmem>> -> memref<250xi32, #tpu.memory_space<vmem>>
    %dma_start3A_38 = arith.constant 0 : i32
    %dma_start3A_39 = arith.constant 0 : i32
    %dma_start3A_40 = tpu.memref_slice %arg2[%dma_start3A_38, %dma_start3A_39] : memref<10000x16xf32, #tpu.memory_space<hbm>> -> memref<10000x16xf32, #tpu.memory_space<hbm>>
    tpu.enqueue_indirect_dma source(%dma_start3A_40 : memref<10000x16xf32, #tpu.memory_space<hbm>>) target(%dma_start3A_34 : memref<250x16xf32, #tpu.memory_space<vmem>>) offsets(%dma_start3A_37 : memref<250xi32, #tpu.memory_space<vmem>>) semaphore(%arg12 : memref<!tpu.dma_semaphore, #tpu.memory_space<semaphore_mem>>)
    %dma_start3A_41 = arith.constant 3 : i32
    %dma_start3A_42 = arith.constant 3 : i32
    %dma_start3A_43 = arith.constant 0 : i32
    %dma_start3A_44 = arith.constant 0 : i32
    %dma_start3A_45 = tpu.memref_slice %arg8[%dma_start3A_42, %dma_start3A_43, %dma_start3A_44] : memref<4x250x16xf32, #tpu.memory_space<vmem>> -> memref<1x250x16xf32, #tpu.memory_space<vmem>>
    %dma_start3A_46 = tpu.memref_squeeze %dma_start3A_45 : memref<1x250x16xf32, #tpu.memory_space<vmem>> -> memref<250x16xf32, #tpu.memory_space<vmem>>
    %dma_start3A_47 = arith.constant 0 : i32
    %dma_start3A_48 = tpu.memref_slice %arg6[%dma_start3A_41, %dma_start3A_47] : memref<40x250xi32, #tpu.memory_space<vmem>> -> memref<1x250xi32, #tpu.memory_space<vmem>>
    %dma_start3A_49 = tpu.memref_squeeze %dma_start3A_48 : memref<1x250xi32, #tpu.memory_space<vmem>> -> memref<250xi32, #tpu.memory_space<vmem>>
    %dma_start3A_50 = arith.constant 0 : i32
    %dma_start3A_51 = arith.constant 0 : i32
    %dma_start3A_52 = tpu.memref_slice %arg2[%dma_start3A_50, %dma_start3A_51] : memref<10000x16xf32, #tpu.memory_space<hbm>> -> memref<10000x16xf32, #tpu.memory_space<hbm>>
    tpu.enqueue_indirect_dma source(%dma_start3A_52 : memref<10000x16xf32, #tpu.memory_space<hbm>>) target(%dma_start3A_46 : memref<250x16xf32, #tpu.memory_space<vmem>>) offsets(%dma_start3A_49 : memref<250xi32, #tpu.memory_space<vmem>>) semaphore(%arg13 : memref<!tpu.dma_semaphore, #tpu.memory_space<semaphore_mem>>)
    %barrier3A = arith.constant 0 : index
    tpu.barrier barrier_id(%barrier3A)
    %scan3A = arith.constant 0 : i32
    %scan3A_53 = arith.constant 0 : i32
    %scan3A_54 = arith.constant 10 : i32
    %scan3A_55 = arith.addi %scan3A_53, %scan3A_54 : i32
    %scan3A_56 = arith.constant 1 : i32
    scf.for %scan3A_59 = %scan3A_53 to %scan3A_55 step %scan3A_56  : i32 {
      %mul3A_60 = arith.constant 4 : i32
      %mul3A_61 = arith.muli %scan3A_59, %mul3A_60 : i32
      %add3A_62 = arith.constant 0 : i32
      %add3A_63 = arith.addi %mul3A_61, %add3A_62 : i32
      %dma_wait3A = arith.constant 0 : i32
      %dma_wait3A_64 = arith.constant 0 : i32
      %dma_wait3A_65 = arith.constant 0 : i32
      %dma_wait3A_66 = tpu.memref_slice %arg8[%dma_wait3A, %dma_wait3A_64, %dma_wait3A_65] : memref<4x250x16xf32, #tpu.memory_space<vmem>> -> memref<1x250x16xf32, #tpu.memory_space<vmem>>
      %dma_wait3A_67 = tpu.memref_squeeze %dma_wait3A_66 : memref<1x250x16xf32, #tpu.memory_space<vmem>> -> memref<250x16xf32, #tpu.memory_space<vmem>>
      %dma_wait3A_68 = arith.constant 0 : i32
      %dma_wait3A_69 = tpu.memref_slice %arg6[%add3A_63, %dma_wait3A_68] : memref<40x250xi32, #tpu.memory_space<vmem>> -> memref<1x250xi32, #tpu.memory_space<vmem>>
      %dma_wait3A_70 = tpu.memref_squeeze %dma_wait3A_69 : memref<1x250xi32, #tpu.memory_space<vmem>> -> memref<250xi32, #tpu.memory_space<vmem>>
      %dma_wait3A_71 = arith.constant 0 : i32
      %dma_wait3A_72 = arith.constant 0 : i32
      %dma_wait3A_73 = tpu.memref_slice %arg2[%dma_wait3A_71, %dma_wait3A_72] : memref<10000x16xf32, #tpu.memory_space<hbm>> -> memref<10000x16xf32, #tpu.memory_space<hbm>>
      tpu.wait_indirect_dma semaphore(%arg10 : memref<!tpu.dma_semaphore, #tpu.memory_space<semaphore_mem>>) src(%dma_wait3A_73 : memref<10000x16xf32, #tpu.memory_space<hbm>>) dst(%dma_wait3A_67 : memref<250x16xf32, #tpu.memory_space<vmem>>)
      %dma_start3A_74 = arith.constant 0 : i32
      %dma_start3A_75 = arith.constant 0 : i32
      %dma_start3A_76 = arith.constant 0 : i32
      %dma_start3A_77 = tpu.memref_slice %arg8[%dma_start3A_74, %dma_start3A_75, %dma_start3A_76] : memref<4x250x16xf32, #tpu.memory_space<vmem>> -> memref<1x250x16xf32, #tpu.memory_space<vmem>>
      %dma_start3A_78 = tpu.memref_squeeze %dma_start3A_77 : memref<1x250x16xf32, #tpu.memory_space<vmem>> -> memref<250x16xf32, #tpu.memory_space<vmem>>
      %dma_start3A_79 = arith.constant 0 : i32
      %dma_start3A_80 = tpu.memref_slice %arg7[%add3A_63, %dma_start3A_79] : memref<40x250xi32, #tpu.memory_space<vmem>> -> memref<1x250xi32, #tpu.memory_space<vmem>>
      %dma_start3A_81 = tpu.memref_squeeze %dma_start3A_80 : memref<1x250xi32, #tpu.memory_space<vmem>> -> memref<250xi32, #tpu.memory_space<vmem>>
      %dma_start3A_82 = arith.constant 0 : i32
      %dma_start3A_83 = arith.constant 0 : i32
      %dma_start3A_84 = tpu.memref_slice %arg9[%dma_start3A_82, %dma_start3A_83] : memref<10112x16xf32, #tpu.memory_space<vmem_shared>> -> memref<10112x16xf32, #tpu.memory_space<vmem_shared>>
      tpu.enqueue_indirect_dma source(%dma_start3A_78 : memref<250x16xf32, #tpu.memory_space<vmem>>) target(%dma_start3A_84 : memref<10112x16xf32, #tpu.memory_space<vmem_shared>>) offsets(%dma_start3A_81 : memref<250xi32, #tpu.memory_space<vmem>>) semaphore(%arg14 : memref<!tpu.dma_semaphore, #tpu.memory_space<semaphore_mem>>) {add = true}
      %dma_wait3A_85 = arith.constant 0 : i32
      %dma_wait3A_86 = arith.constant 0 : i32
      %dma_wait3A_87 = arith.constant 0 : i32
      %dma_wait3A_88 = tpu.memref_slice %arg8[%dma_wait3A_85, %dma_wait3A_86, %dma_wait3A_87] : memref<4x250x16xf32, #tpu.memory_space<vmem>> -> memref<1x250x16xf32, #tpu.memory_space<vmem>>
      %dma_wait3A_89 = tpu.memref_squeeze %dma_wait3A_88 : memref<1x250x16xf32, #tpu.memory_space<vmem>> -> memref<250x16xf32, #tpu.memory_space<vmem>>
      %dma_wait3A_90 = arith.constant 0 : i32
      %dma_wait3A_91 = tpu.memref_slice %arg7[%add3A_63, %dma_wait3A_90] : memref<40x250xi32, #tpu.memory_space<vmem>> -> memref<1x250xi32, #tpu.memory_space<vmem>>
      %dma_wait3A_92 = tpu.memref_squeeze %dma_wait3A_91 : memref<1x250xi32, #tpu.memory_space<vmem>> -> memref<250xi32, #tpu.memory_space<vmem>>
      %dma_wait3A_93 = arith.constant 0 : i32
      %dma_wait3A_94 = arith.constant 0 : i32
      %dma_wait3A_95 = tpu.memref_slice %arg9[%dma_wait3A_93, %dma_wait3A_94] : memref<10112x16xf32, #tpu.memory_space<vmem_shared>> -> memref<10112x16xf32, #tpu.memory_space<vmem_shared>>
      tpu.wait_indirect_dma semaphore(%arg14 : memref<!tpu.dma_semaphore, #tpu.memory_space<semaphore_mem>>) src(%dma_wait3A_89 : memref<250x16xf32, #tpu.memory_space<vmem>>) dst(%dma_wait3A_95 : memref<10112x16xf32, #tpu.memory_space<vmem_shared>>)
      %add3A_96 = arith.constant 4 : i32
      %add3A_97 = arith.addi %add3A_63, %add3A_96 : i32
      %lt3A = arith.constant 40 : i32
      %lt3A_98 = arith.cmpi slt, %add3A_97, %lt3A : i32
      %convert_element_type3A = arith.extui %lt3A_98 : i1 to i32
      %cond3A = arith.constant 0 : i32
      %cond3A_99 = arith.cmpi ne, %convert_element_type3A, %cond3A : i32
      scf.if %cond3A_99 {
        %add3A_232 = arith.constant 4 : i32
        %add3A_233 = arith.addi %add3A_63, %add3A_232 : i32
        %dma_start3A_234 = arith.constant 0 : i32
        %dma_start3A_235 = arith.constant 0 : i32
        %dma_start3A_236 = arith.constant 0 : i32
        %dma_start3A_237 = tpu.memref_slice %arg8[%dma_start3A_234, %dma_start3A_235, %dma_start3A_236] : memref<4x250x16xf32, #tpu.memory_space<vmem>> -> memref<1x250x16xf32, #tpu.memory_space<vmem>>
        %dma_start3A_238 = tpu.memref_squeeze %dma_start3A_237 : memref<1x250x16xf32, #tpu.memory_space<vmem>> -> memref<250x16xf32, #tpu.memory_space<vmem>>
        %dma_start3A_239 = arith.constant 0 : i32
        %dma_start3A_240 = tpu.memref_slice %arg6[%add3A_233, %dma_start3A_239] : memref<40x250xi32, #tpu.memory_space<vmem>> -> memref<1x250xi32, #tpu.memory_space<vmem>>
        %dma_start3A_241 = tpu.memref_squeeze %dma_start3A_240 : memref<1x250xi32, #tpu.memory_space<vmem>> -> memref<250xi32, #tpu.memory_space<vmem>>
        %dma_start3A_242 = arith.constant 0 : i32
        %dma_start3A_243 = arith.constant 0 : i32
        %dma_start3A_244 = tpu.memref_slice %arg2[%dma_start3A_242, %dma_start3A_243] : memref<10000x16xf32, #tpu.memory_space<hbm>> -> memref<10000x16xf32, #tpu.memory_space<hbm>>
        tpu.enqueue_indirect_dma source(%dma_start3A_244 : memref<10000x16xf32, #tpu.memory_space<hbm>>) target(%dma_start3A_238 : memref<250x16xf32, #tpu.memory_space<vmem>>) offsets(%dma_start3A_241 : memref<250xi32, #tpu.memory_space<vmem>>) semaphore(%arg10 : memref<!tpu.dma_semaphore, #tpu.memory_space<semaphore_mem>>)
      } else {
      }
      %mul3A_100 = arith.constant 4 : i32
      %mul3A_101 = arith.muli %scan3A_59, %mul3A_100 : i32
      %add3A_102 = arith.constant 1 : i32
      %add3A_103 = arith.addi %mul3A_101, %add3A_102 : i32
      %dma_wait3A_104 = arith.constant 1 : i32
      %dma_wait3A_105 = arith.constant 0 : i32
      %dma_wait3A_106 = arith.constant 0 : i32
      %dma_wait3A_107 = tpu.memref_slice %arg8[%dma_wait3A_104, %dma_wait3A_105, %dma_wait3A_106] : memref<4x250x16xf32, #tpu.memory_space<vmem>> -> memref<1x250x16xf32, #tpu.memory_space<vmem>>
      %dma_wait3A_108 = tpu.memref_squeeze %dma_wait3A_107 : memref<1x250x16xf32, #tpu.memory_space<vmem>> -> memref<250x16xf32, #tpu.memory_space<vmem>>
      %dma_wait3A_109 = arith.constant 0 : i32
      %dma_wait3A_110 = tpu.memref_slice %arg6[%add3A_103, %dma_wait3A_109] : memref<40x250xi32, #tpu.memory_space<vmem>> -> memref<1x250xi32, #tpu.memory_space<vmem>>
      %dma_wait3A_111 = tpu.memref_squeeze %dma_wait3A_110 : memref<1x250xi32, #tpu.memory_space<vmem>> -> memref<250xi32, #tpu.memory_space<vmem>>
      %dma_wait3A_112 = arith.constant 0 : i32
      %dma_wait3A_113 = arith.constant 0 : i32
      %dma_wait3A_114 = tpu.memref_slice %arg2[%dma_wait3A_112, %dma_wait3A_113] : memref<10000x16xf32, #tpu.memory_space<hbm>> -> memref<10000x16xf32, #tpu.memory_space<hbm>>
      tpu.wait_indirect_dma semaphore(%arg11 : memref<!tpu.dma_semaphore, #tpu.memory_space<semaphore_mem>>) src(%dma_wait3A_114 : memref<10000x16xf32, #tpu.memory_space<hbm>>) dst(%dma_wait3A_108 : memref<250x16xf32, #tpu.memory_space<vmem>>)
      %dma_start3A_115 = arith.constant 1 : i32
      %dma_start3A_116 = arith.constant 0 : i32
      %dma_start3A_117 = arith.constant 0 : i32
      %dma_start3A_118 = tpu.memref_slice %arg8[%dma_start3A_115, %dma_start3A_116, %dma_start3A_117] : memref<4x250x16xf32, #tpu.memory_space<vmem>> -> memref<1x250x16xf32, #tpu.memory_space<vmem>>
      %dma_start3A_119 = tpu.memref_squeeze %dma_start3A_118 : memref<1x250x16xf32, #tpu.memory_space<vmem>> -> memref<250x16xf32, #tpu.memory_space<vmem>>
      %dma_start3A_120 = arith.constant 0 : i32
      %dma_start3A_121 = tpu.memref_slice %arg7[%add3A_103, %dma_start3A_120] : memref<40x250xi32, #tpu.memory_space<vmem>> -> memref<1x250xi32, #tpu.memory_space<vmem>>
      %dma_start3A_122 = tpu.memref_squeeze %dma_start3A_121 : memref<1x250xi32, #tpu.memory_space<vmem>> -> memref<250xi32, #tpu.memory_space<vmem>>
      %dma_start3A_123 = arith.constant 0 : i32
      %dma_start3A_124 = arith.constant 0 : i32
      %dma_start3A_125 = tpu.memref_slice %arg9[%dma_start3A_123, %dma_start3A_124] : memref<10112x16xf32, #tpu.memory_space<vmem_shared>> -> memref<10112x16xf32, #tpu.memory_space<vmem_shared>>
      tpu.enqueue_indirect_dma source(%dma_start3A_119 : memref<250x16xf32, #tpu.memory_space<vmem>>) target(%dma_start3A_125 : memref<10112x16xf32, #tpu.memory_space<vmem_shared>>) offsets(%dma_start3A_122 : memref<250xi32, #tpu.memory_space<vmem>>) semaphore(%arg15 : memref<!tpu.dma_semaphore, #tpu.memory_space<semaphore_mem>>) {add = true}
      %dma_wait3A_126 = arith.constant 1 : i32
      %dma_wait3A_127 = arith.constant 0 : i32
      %dma_wait3A_128 = arith.constant 0 : i32
      %dma_wait3A_129 = tpu.memref_slice %arg8[%dma_wait3A_126, %dma_wait3A_127, %dma_wait3A_128] : memref<4x250x16xf32, #tpu.memory_space<vmem>> -> memref<1x250x16xf32, #tpu.memory_space<vmem>>
      %dma_wait3A_130 = tpu.memref_squeeze %dma_wait3A_129 : memref<1x250x16xf32, #tpu.memory_space<vmem>> -> memref<250x16xf32, #tpu.memory_space<vmem>>
      %dma_wait3A_131 = arith.constant 0 : i32
      %dma_wait3A_132 = tpu.memref_slice %arg7[%add3A_103, %dma_wait3A_131] : memref<40x250xi32, #tpu.memory_space<vmem>> -> memref<1x250xi32, #tpu.memory_space<vmem>>
      %dma_wait3A_133 = tpu.memref_squeeze %dma_wait3A_132 : memref<1x250xi32, #tpu.memory_space<vmem>> -> memref<250xi32, #tpu.memory_space<vmem>>
      %dma_wait3A_134 = arith.constant 0 : i32
      %dma_wait3A_135 = arith.constant 0 : i32
      %dma_wait3A_136 = tpu.memref_slice %arg9[%dma_wait3A_134, %dma_wait3A_135] : memref<10112x16xf32, #tpu.memory_space<vmem_shared>> -> memref<10112x16xf32, #tpu.memory_space<vmem_shared>>
      tpu.wait_indirect_dma semaphore(%arg15 : memref<!tpu.dma_semaphore, #tpu.memory_space<semaphore_mem>>) src(%dma_wait3A_130 : memref<250x16xf32, #tpu.memory_space<vmem>>) dst(%dma_wait3A_136 : memref<10112x16xf32, #tpu.memory_space<vmem_shared>>)
      %add3A_137 = arith.constant 4 : i32
      %add3A_138 = arith.addi %add3A_103, %add3A_137 : i32
      %lt3A_139 = arith.constant 40 : i32
      %lt3A_140 = arith.cmpi slt, %add3A_138, %lt3A_139 : i32
      %convert_element_type3A_141 = arith.extui %lt3A_140 : i1 to i32
      %cond3A_142 = arith.constant 0 : i32
      %cond3A_143 = arith.cmpi ne, %convert_element_type3A_141, %cond3A_142 : i32
      scf.if %cond3A_143 {
        %add3A_232 = arith.constant 4 : i32
        %add3A_233 = arith.addi %add3A_103, %add3A_232 : i32
        %dma_start3A_234 = arith.constant 1 : i32
        %dma_start3A_235 = arith.constant 0 : i32
        %dma_start3A_236 = arith.constant 0 : i32
        %dma_start3A_237 = tpu.memref_slice %arg8[%dma_start3A_234, %dma_start3A_235, %dma_start3A_236] : memref<4x250x16xf32, #tpu.memory_space<vmem>> -> memref<1x250x16xf32, #tpu.memory_space<vmem>>
        %dma_start3A_238 = tpu.memref_squeeze %dma_start3A_237 : memref<1x250x16xf32, #tpu.memory_space<vmem>> -> memref<250x16xf32, #tpu.memory_space<vmem>>
        %dma_start3A_239 = arith.constant 0 : i32
        %dma_start3A_240 = tpu.memref_slice %arg6[%add3A_233, %dma_start3A_239] : memref<40x250xi32, #tpu.memory_space<vmem>> -> memref<1x250xi32, #tpu.memory_space<vmem>>
        %dma_start3A_241 = tpu.memref_squeeze %dma_start3A_240 : memref<1x250xi32, #tpu.memory_space<vmem>> -> memref<250xi32, #tpu.memory_space<vmem>>
        %dma_start3A_242 = arith.constant 0 : i32
        %dma_start3A_243 = arith.constant 0 : i32
        %dma_start3A_244 = tpu.memref_slice %arg2[%dma_start3A_242, %dma_start3A_243] : memref<10000x16xf32, #tpu.memory_space<hbm>> -> memref<10000x16xf32, #tpu.memory_space<hbm>>
        tpu.enqueue_indirect_dma source(%dma_start3A_244 : memref<10000x16xf32, #tpu.memory_space<hbm>>) target(%dma_start3A_238 : memref<250x16xf32, #tpu.memory_space<vmem>>) offsets(%dma_start3A_241 : memref<250xi32, #tpu.memory_space<vmem>>) semaphore(%arg11 : memref<!tpu.dma_semaphore, #tpu.memory_space<semaphore_mem>>)
      } else {
      }
      %mul3A_144 = arith.constant 4 : i32
      %mul3A_145 = arith.muli %scan3A_59, %mul3A_144 : i32
      %add3A_146 = arith.constant 2 : i32
      %add3A_147 = arith.addi %mul3A_145, %add3A_146 : i32
      %dma_wait3A_148 = arith.constant 2 : i32
      %dma_wait3A_149 = arith.constant 0 : i32
      %dma_wait3A_150 = arith.constant 0 : i32
      %dma_wait3A_151 = tpu.memref_slice %arg8[%dma_wait3A_148, %dma_wait3A_149, %dma_wait3A_150] : memref<4x250x16xf32, #tpu.memory_space<vmem>> -> memref<1x250x16xf32, #tpu.memory_space<vmem>>
      %dma_wait3A_152 = tpu.memref_squeeze %dma_wait3A_151 : memref<1x250x16xf32, #tpu.memory_space<vmem>> -> memref<250x16xf32, #tpu.memory_space<vmem>>
      %dma_wait3A_153 = arith.constant 0 : i32
      %dma_wait3A_154 = tpu.memref_slice %arg6[%add3A_147, %dma_wait3A_153] : memref<40x250xi32, #tpu.memory_space<vmem>> -> memref<1x250xi32, #tpu.memory_space<vmem>>
      %dma_wait3A_155 = tpu.memref_squeeze %dma_wait3A_154 : memref<1x250xi32, #tpu.memory_space<vmem>> -> memref<250xi32, #tpu.memory_space<vmem>>
      %dma_wait3A_156 = arith.constant 0 : i32
      %dma_wait3A_157 = arith.constant 0 : i32
      %dma_wait3A_158 = tpu.memref_slice %arg2[%dma_wait3A_156, %dma_wait3A_157] : memref<10000x16xf32, #tpu.memory_space<hbm>> -> memref<10000x16xf32, #tpu.memory_space<hbm>>
      tpu.wait_indirect_dma semaphore(%arg12 : memref<!tpu.dma_semaphore, #tpu.memory_space<semaphore_mem>>) src(%dma_wait3A_158 : memref<10000x16xf32, #tpu.memory_space<hbm>>) dst(%dma_wait3A_152 : memref<250x16xf32, #tpu.memory_space<vmem>>)
      %dma_start3A_159 = arith.constant 2 : i32
      %dma_start3A_160 = arith.constant 0 : i32
      %dma_start3A_161 = arith.constant 0 : i32
      %dma_start3A_162 = tpu.memref_slice %arg8[%dma_start3A_159, %dma_start3A_160, %dma_start3A_161] : memref<4x250x16xf32, #tpu.memory_space<vmem>> -> memref<1x250x16xf32, #tpu.memory_space<vmem>>
      %dma_start3A_163 = tpu.memref_squeeze %dma_start3A_162 : memref<1x250x16xf32, #tpu.memory_space<vmem>> -> memref<250x16xf32, #tpu.memory_space<vmem>>
      %dma_start3A_164 = arith.constant 0 : i32
      %dma_start3A_165 = tpu.memref_slice %arg7[%add3A_147, %dma_start3A_164] : memref<40x250xi32, #tpu.memory_space<vmem>> -> memref<1x250xi32, #tpu.memory_space<vmem>>
      %dma_start3A_166 = tpu.memref_squeeze %dma_start3A_165 : memref<1x250xi32, #tpu.memory_space<vmem>> -> memref<250xi32, #tpu.memory_space<vmem>>
      %dma_start3A_167 = arith.constant 0 : i32
      %dma_start3A_168 = arith.constant 0 : i32
      %dma_start3A_169 = tpu.memref_slice %arg9[%dma_start3A_167, %dma_start3A_168] : memref<10112x16xf32, #tpu.memory_space<vmem_shared>> -> memref<10112x16xf32, #tpu.memory_space<vmem_shared>>
      tpu.enqueue_indirect_dma source(%dma_start3A_163 : memref<250x16xf32, #tpu.memory_space<vmem>>) target(%dma_start3A_169 : memref<10112x16xf32, #tpu.memory_space<vmem_shared>>) offsets(%dma_start3A_166 : memref<250xi32, #tpu.memory_space<vmem>>) semaphore(%arg16 : memref<!tpu.dma_semaphore, #tpu.memory_space<semaphore_mem>>) {add = true}
      %dma_wait3A_170 = arith.constant 2 : i32
      %dma_wait3A_171 = arith.constant 0 : i32
      %dma_wait3A_172 = arith.constant 0 : i32
      %dma_wait3A_173 = tpu.memref_slice %arg8[%dma_wait3A_170, %dma_wait3A_171, %dma_wait3A_172] : memref<4x250x16xf32, #tpu.memory_space<vmem>> -> memref<1x250x16xf32, #tpu.memory_space<vmem>>
      %dma_wait3A_174 = tpu.memref_squeeze %dma_wait3A_173 : memref<1x250x16xf32, #tpu.memory_space<vmem>> -> memref<250x16xf32, #tpu.memory_space<vmem>>
      %dma_wait3A_175 = arith.constant 0 : i32
      %dma_wait3A_176 = tpu.memref_slice %arg7[%add3A_147, %dma_wait3A_175] : memref<40x250xi32, #tpu.memory_space<vmem>> -> memref<1x250xi32, #tpu.memory_space<vmem>>
      %dma_wait3A_177 = tpu.memref_squeeze %dma_wait3A_176 : memref<1x250xi32, #tpu.memory_space<vmem>> -> memref<250xi32, #tpu.memory_space<vmem>>
      %dma_wait3A_178 = arith.constant 0 : i32
      %dma_wait3A_179 = arith.constant 0 : i32
      %dma_wait3A_180 = tpu.memref_slice %arg9[%dma_wait3A_178, %dma_wait3A_179] : memref<10112x16xf32, #tpu.memory_space<vmem_shared>> -> memref<10112x16xf32, #tpu.memory_space<vmem_shared>>
      tpu.wait_indirect_dma semaphore(%arg16 : memref<!tpu.dma_semaphore, #tpu.memory_space<semaphore_mem>>) src(%dma_wait3A_174 : memref<250x16xf32, #tpu.memory_space<vmem>>) dst(%dma_wait3A_180 : memref<10112x16xf32, #tpu.memory_space<vmem_shared>>)
      %add3A_181 = arith.constant 4 : i32
      %add3A_182 = arith.addi %add3A_147, %add3A_181 : i32
      %lt3A_183 = arith.constant 40 : i32
      %lt3A_184 = arith.cmpi slt, %add3A_182, %lt3A_183 : i32
      %convert_element_type3A_185 = arith.extui %lt3A_184 : i1 to i32
      %cond3A_186 = arith.constant 0 : i32
      %cond3A_187 = arith.cmpi ne, %convert_element_type3A_185, %cond3A_186 : i32
      scf.if %cond3A_187 {
        %add3A_232 = arith.constant 4 : i32
        %add3A_233 = arith.addi %add3A_147, %add3A_232 : i32
        %dma_start3A_234 = arith.constant 2 : i32
        %dma_start3A_235 = arith.constant 0 : i32
        %dma_start3A_236 = arith.constant 0 : i32
        %dma_start3A_237 = tpu.memref_slice %arg8[%dma_start3A_234, %dma_start3A_235, %dma_start3A_236] : memref<4x250x16xf32, #tpu.memory_space<vmem>> -> memref<1x250x16xf32, #tpu.memory_space<vmem>>
        %dma_start3A_238 = tpu.memref_squeeze %dma_start3A_237 : memref<1x250x16xf32, #tpu.memory_space<vmem>> -> memref<250x16xf32, #tpu.memory_space<vmem>>
        %dma_start3A_239 = arith.constant 0 : i32
        %dma_start3A_240 = tpu.memref_slice %arg6[%add3A_233, %dma_start3A_239] : memref<40x250xi32, #tpu.memory_space<vmem>> -> memref<1x250xi32, #tpu.memory_space<vmem>>
        %dma_start3A_241 = tpu.memref_squeeze %dma_start3A_240 : memref<1x250xi32, #tpu.memory_space<vmem>> -> memref<250xi32, #tpu.memory_space<vmem>>
        %dma_start3A_242 = arith.constant 0 : i32
        %dma_start3A_243 = arith.constant 0 : i32
        %dma_start3A_244 = tpu.memref_slice %arg2[%dma_start3A_242, %dma_start3A_243] : memref<10000x16xf32, #tpu.memory_space<hbm>> -> memref<10000x16xf32, #tpu.memory_space<hbm>>
        tpu.enqueue_indirect_dma source(%dma_start3A_244 : memref<10000x16xf32, #tpu.memory_space<hbm>>) target(%dma_start3A_238 : memref<250x16xf32, #tpu.memory_space<vmem>>) offsets(%dma_start3A_241 : memref<250xi32, #tpu.memory_space<vmem>>) semaphore(%arg12 : memref<!tpu.dma_semaphore, #tpu.memory_space<semaphore_mem>>)
      } else {
      }
      %mul3A_188 = arith.constant 4 : i32
      %mul3A_189 = arith.muli %scan3A_59, %mul3A_188 : i32
      %add3A_190 = arith.constant 3 : i32
      %add3A_191 = arith.addi %mul3A_189, %add3A_190 : i32
      %dma_wait3A_192 = arith.constant 3 : i32
      %dma_wait3A_193 = arith.constant 0 : i32
      %dma_wait3A_194 = arith.constant 0 : i32
      %dma_wait3A_195 = tpu.memref_slice %arg8[%dma_wait3A_192, %dma_wait3A_193, %dma_wait3A_194] : memref<4x250x16xf32, #tpu.memory_space<vmem>> -> memref<1x250x16xf32, #tpu.memory_space<vmem>>
      %dma_wait3A_196 = tpu.memref_squeeze %dma_wait3A_195 : memref<1x250x16xf32, #tpu.memory_space<vmem>> -> memref<250x16xf32, #tpu.memory_space<vmem>>
      %dma_wait3A_197 = arith.constant 0 : i32
      %dma_wait3A_198 = tpu.memref_slice %arg6[%add3A_191, %dma_wait3A_197] : memref<40x250xi32, #tpu.memory_space<vmem>> -> memref<1x250xi32, #tpu.memory_space<vmem>>
      %dma_wait3A_199 = tpu.memref_squeeze %dma_wait3A_198 : memref<1x250xi32, #tpu.memory_space<vmem>> -> memref<250xi32, #tpu.memory_space<vmem>>
      %dma_wait3A_200 = arith.constant 0 : i32
      %dma_wait3A_201 = arith.constant 0 : i32
      %dma_wait3A_202 = tpu.memref_slice %arg2[%dma_wait3A_200, %dma_wait3A_201] : memref<10000x16xf32, #tpu.memory_space<hbm>> -> memref<10000x16xf32, #tpu.memory_space<hbm>>
      tpu.wait_indirect_dma semaphore(%arg13 : memref<!tpu.dma_semaphore, #tpu.memory_space<semaphore_mem>>) src(%dma_wait3A_202 : memref<10000x16xf32, #tpu.memory_space<hbm>>) dst(%dma_wait3A_196 : memref<250x16xf32, #tpu.memory_space<vmem>>)
      %dma_start3A_203 = arith.constant 3 : i32
      %dma_start3A_204 = arith.constant 0 : i32
      %dma_start3A_205 = arith.constant 0 : i32
      %dma_start3A_206 = tpu.memref_slice %arg8[%dma_start3A_203, %dma_start3A_204, %dma_start3A_205] : memref<4x250x16xf32, #tpu.memory_space<vmem>> -> memref<1x250x16xf32, #tpu.memory_space<vmem>>
      %dma_start3A_207 = tpu.memref_squeeze %dma_start3A_206 : memref<1x250x16xf32, #tpu.memory_space<vmem>> -> memref<250x16xf32, #tpu.memory_space<vmem>>
      %dma_start3A_208 = arith.constant 0 : i32
      %dma_start3A_209 = tpu.memref_slice %arg7[%add3A_191, %dma_start3A_208] : memref<40x250xi32, #tpu.memory_space<vmem>> -> memref<1x250xi32, #tpu.memory_space<vmem>>
      %dma_start3A_210 = tpu.memref_squeeze %dma_start3A_209 : memref<1x250xi32, #tpu.memory_space<vmem>> -> memref<250xi32, #tpu.memory_space<vmem>>
      %dma_start3A_211 = arith.constant 0 : i32
      %dma_start3A_212 = arith.constant 0 : i32
      %dma_start3A_213 = tpu.memref_slice %arg9[%dma_start3A_211, %dma_start3A_212] : memref<10112x16xf32, #tpu.memory_space<vmem_shared>> -> memref<10112x16xf32, #tpu.memory_space<vmem_shared>>
      tpu.enqueue_indirect_dma source(%dma_start3A_207 : memref<250x16xf32, #tpu.memory_space<vmem>>) target(%dma_start3A_213 : memref<10112x16xf32, #tpu.memory_space<vmem_shared>>) offsets(%dma_start3A_210 : memref<250xi32, #tpu.memory_space<vmem>>) semaphore(%arg17 : memref<!tpu.dma_semaphore, #tpu.memory_space<semaphore_mem>>) {add = true}
      %dma_wait3A_214 = arith.constant 3 : i32
      %dma_wait3A_215 = arith.constant 0 : i32
      %dma_wait3A_216 = arith.constant 0 : i32
      %dma_wait3A_217 = tpu.memref_slice %arg8[%dma_wait3A_214, %dma_wait3A_215, %dma_wait3A_216] : memref<4x250x16xf32, #tpu.memory_space<vmem>> -> memref<1x250x16xf32, #tpu.memory_space<vmem>>
      %dma_wait3A_218 = tpu.memref_squeeze %dma_wait3A_217 : memref<1x250x16xf32, #tpu.memory_space<vmem>> -> memref<250x16xf32, #tpu.memory_space<vmem>>
      %dma_wait3A_219 = arith.constant 0 : i32
      %dma_wait3A_220 = tpu.memref_slice %arg7[%add3A_191, %dma_wait3A_219] : memref<40x250xi32, #tpu.memory_space<vmem>> -> memref<1x250xi32, #tpu.memory_space<vmem>>
      %dma_wait3A_221 = tpu.memref_squeeze %dma_wait3A_220 : memref<1x250xi32, #tpu.memory_space<vmem>> -> memref<250xi32, #tpu.memory_space<vmem>>
      %dma_wait3A_222 = arith.constant 0 : i32
      %dma_wait3A_223 = arith.constant 0 : i32
      %dma_wait3A_224 = tpu.memref_slice %arg9[%dma_wait3A_222, %dma_wait3A_223] : memref<10112x16xf32, #tpu.memory_space<vmem_shared>> -> memref<10112x16xf32, #tpu.memory_space<vmem_shared>>
      tpu.wait_indirect_dma semaphore(%arg17 : memref<!tpu.dma_semaphore, #tpu.memory_space<semaphore_mem>>) src(%dma_wait3A_218 : memref<250x16xf32, #tpu.memory_space<vmem>>) dst(%dma_wait3A_224 : memref<10112x16xf32, #tpu.memory_space<vmem_shared>>)
      %add3A_225 = arith.constant 4 : i32
      %add3A_226 = arith.addi %add3A_191, %add3A_225 : i32
      %lt3A_227 = arith.constant 40 : i32
      %lt3A_228 = arith.cmpi slt, %add3A_226, %lt3A_227 : i32
      %convert_element_type3A_229 = arith.extui %lt3A_228 : i1 to i32
      %cond3A_230 = arith.constant 0 : i32
      %cond3A_231 = arith.cmpi ne, %convert_element_type3A_229, %cond3A_230 : i32
      scf.if %cond3A_231 {
        %add3A_232 = arith.constant 4 : i32
        %add3A_233 = arith.addi %add3A_191, %add3A_232 : i32
        %dma_start3A_234 = arith.constant 3 : i32
        %dma_start3A_235 = arith.constant 0 : i32
        %dma_start3A_236 = arith.constant 0 : i32
        %dma_start3A_237 = tpu.memref_slice %arg8[%dma_start3A_234, %dma_start3A_235, %dma_start3A_236] : memref<4x250x16xf32, #tpu.memory_space<vmem>> -> memref<1x250x16xf32, #tpu.memory_space<vmem>>
        %dma_start3A_238 = tpu.memref_squeeze %dma_start3A_237 : memref<1x250x16xf32, #tpu.memory_space<vmem>> -> memref<250x16xf32, #tpu.memory_space<vmem>>
        %dma_start3A_239 = arith.constant 0 : i32
        %dma_start3A_240 = tpu.memref_slice %arg6[%add3A_233, %dma_start3A_239] : memref<40x250xi32, #tpu.memory_space<vmem>> -> memref<1x250xi32, #tpu.memory_space<vmem>>
        %dma_start3A_241 = tpu.memref_squeeze %dma_start3A_240 : memref<1x250xi32, #tpu.memory_space<vmem>> -> memref<250xi32, #tpu.memory_space<vmem>>
        %dma_start3A_242 = arith.constant 0 : i32
        %dma_start3A_243 = arith.constant 0 : i32
        %dma_start3A_244 = tpu.memref_slice %arg2[%dma_start3A_242, %dma_start3A_243] : memref<10000x16xf32, #tpu.memory_space<hbm>> -> memref<10000x16xf32, #tpu.memory_space<hbm>>
        tpu.enqueue_indirect_dma source(%dma_start3A_244 : memref<10000x16xf32, #tpu.memory_space<hbm>>) target(%dma_start3A_238 : memref<250x16xf32, #tpu.memory_space<vmem>>) offsets(%dma_start3A_241 : memref<250xi32, #tpu.memory_space<vmem>>) semaphore(%arg13 : memref<!tpu.dma_semaphore, #tpu.memory_space<semaphore_mem>>)
      } else {
      }
    }
    %scan3A_57 = arith.constant 10 : i32
    %barrier3A_58 = arith.constant 0 : index
    tpu.barrier barrier_id(%barrier3A_58)
    "tpu.region"() ({
      %run_scoped3A_59 = tpu.sem_alloc : memref<!tpu.dma_semaphore, #tpu.memory_space<semaphore_mem>>
      %dma_start3A_60 = arith.constant 0 : i32
      %dma_start3A_61 = tpu.memref_slice %arg5[%arg0, %mul3A_0, %dma_start3A_60] : memref<2x10112x16xf32, #tpu.memory_space<hbm>> -> memref<1x632x16xf32, #tpu.memory_space<hbm>>
      %dma_start3A_62 = tpu.memref_squeeze %dma_start3A_61 : memref<1x632x16xf32, #tpu.memory_space<hbm>> -> memref<632x16xf32, #tpu.memory_space<hbm>>
      %dma_start3A_63 = arith.constant 0 : i32
      %dma_start3A_64 = tpu.memref_slice %arg9[%mul3A_0, %dma_start3A_63] : memref<10112x16xf32, #tpu.memory_space<vmem_shared>> -> memref<632x16xf32, #tpu.memory_space<vmem_shared>>
      tpu.enqueue_dma source(%dma_start3A_64 : memref<632x16xf32, #tpu.memory_space<vmem_shared>>) target(%dma_start3A_62 : memref<632x16xf32, #tpu.memory_space<hbm>>) target_semaphore(%run_scoped3A_59 : memref<!tpu.dma_semaphore, #tpu.memory_space<semaphore_mem>>)
      %dma_wait3A = arith.constant 0 : i32
      %dma_wait3A_65 = tpu.memref_slice %arg5[%arg0, %mul3A_0, %dma_wait3A] : memref<2x10112x16xf32, #tpu.memory_space<hbm>> -> memref<1x632x16xf32, #tpu.memory_space<hbm>>
      %dma_wait3A_66 = tpu.memref_squeeze %dma_wait3A_65 : memref<1x632x16xf32, #tpu.memory_space<hbm>> -> memref<632x16xf32, #tpu.memory_space<hbm>>
      %dma_wait3A_67 = arith.constant 0 : i32
      %dma_wait3A_68 = tpu.memref_slice %arg9[%mul3A_0, %dma_wait3A_67] : memref<10112x16xf32, #tpu.memory_space<vmem_shared>> -> memref<632x16xf32, #tpu.memory_space<vmem_shared>>
      tpu.wait_dma2 semaphore(%run_scoped3A_59 : memref<!tpu.dma_semaphore, #tpu.memory_space<semaphore_mem>>) src(%dma_wait3A_68 : memref<632x16xf32, #tpu.memory_space<vmem_shared>>) dst(%dma_wait3A_66 : memref<632x16xf32, #tpu.memory_space<hbm>>)
      tpu.yield
    }) : () -> ()
    return
  }
}

module attributes {stable_mosaic.version = 14 : i64} {
  func.func @body(%arg0: memref<10000x128xf32, #tpu.memory_space<vmem>>, %arg1: memref<128x32xf32, #tpu.memory_space<vmem>>, %arg2: memref<128x32xf32, #tpu.memory_space<vmem>>, %arg3: memref<32xf32, #tpu.memory_space<vmem>>, %arg4: memref<10000x32xf32, #tpu.memory_space<vmem>>, %arg5: memref<10000x32xf32, #tpu.memory_space<vmem>>) attributes {dimension_semantics = [], scalar_prefetch = 0 : i64, scratch_operands = 0 : i64, tpu.core_type = #tpu.core_type<tc>} {
    %get3A = arith.constant 0 : index
    %get3A_0 = arith.constant 0 : index
    %get3A_1 = vector.load %arg0[%get3A, %get3A_0] : memref<10000x128xf32, #tpu.memory_space<vmem>>, vector<10000x128xf32>
    %get3A_2 = arith.constant 0 : index
    %get3A_3 = arith.constant 0 : index
    %get3A_4 = vector.load %arg1[%get3A_2, %get3A_3] : memref<128x32xf32, #tpu.memory_space<vmem>>, vector<128x32xf32>
    %dot_general3A = arith.constant dense<0.000000e+00> : vector<10000x32xf32>
    %dot_general3A_5 = tpu.matmul %get3A_1, %get3A_4, %dot_general3A {dimension_numbers = #tpu.dot_dimension_numbers<[1], [0], [0], [1], [0, 0, 1, 1], [], []>, transpose_lhs_hint = false} : vector<10000x128xf32>, vector<128x32xf32>, vector<10000x32xf32> -> vector<10000x32xf32>
    %swap3A = arith.constant 0 : index
    %swap3A_6 = arith.constant 0 : index
    %swap3A_7 = vector.load %arg4[%swap3A, %swap3A_6] : memref<10000x32xf32, #tpu.memory_space<vmem>>, vector<10000x32xf32>
    tpu.vector_store %arg4[%swap3A, %swap3A_6], %dot_general3A_5 {strides = array<i32>} : memref<10000x32xf32, #tpu.memory_space<vmem>>, vector<10000x32xf32>,
    %get3A_8 = arith.constant 0 : index
    %get3A_9 = arith.constant 0 : index
    %get3A_10 = vector.load %arg2[%get3A_8, %get3A_9] : memref<128x32xf32, #tpu.memory_space<vmem>>, vector<128x32xf32>
    %dot_general3A_11 = arith.constant dense<0.000000e+00> : vector<10000x32xf32>
    %dot_general3A_12 = tpu.matmul %get3A_1, %get3A_10, %dot_general3A_11 {dimension_numbers = #tpu.dot_dimension_numbers<[1], [0], [0], [1], [0, 0, 1, 1], [], []>, transpose_lhs_hint = false} : vector<10000x128xf32>, vector<128x32xf32>, vector<10000x32xf32> -> vector<10000x32xf32>
    %get3A_13 = arith.constant 0 : index
    %get3A_14 = vector.load %arg3[%get3A_13] : memref<32xf32, #tpu.memory_space<vmem>>, vector<32xf32>
    %broadcast_in_dim3A = vector.shape_cast %get3A_14 : vector<32xf32> to vector<1x32xf32>
    %add3A = vector.broadcast %broadcast_in_dim3A : vector<1x32xf32> to vector<10000x32xf32>
    %add3A_15 = arith.addf %dot_general3A_12, %add3A : vector<10000x32xf32>
    %swap3A_16 = arith.constant 0 : index
    %swap3A_17 = arith.constant 0 : index
    %swap3A_18 = vector.load %arg5[%swap3A_16, %swap3A_17] : memref<10000x32xf32, #tpu.memory_space<vmem>>, vector<10000x32xf32>
    tpu.vector_store %arg5[%swap3A_16, %swap3A_17], %add3A_15 {strides = array<i32>} : memref<10000x32xf32, #tpu.memory_space<vmem>>, vector<10000x32xf32>,
    return
  }
}

module attributes {stable_mosaic.version = 14 : i64} {
  func.func @body(%arg0: memref<2x10112x32xf32, #tpu.memory_space<vmem>>, %arg1: memref<2x10112x8xf32, #tpu.memory_space<vmem>>, %arg2: memref<10000x32xf32, #tpu.memory_space<vmem>>, %arg3: memref<32xf32, #tpu.memory_space<vmem>>, %arg4: memref<32xf32, #tpu.memory_space<vmem>>, %arg5: memref<32x16xf32, #tpu.memory_space<vmem>>, %arg6: memref<32x2xf32, #tpu.memory_space<vmem>>, %arg7: memref<2xf32, #tpu.memory_space<vmem>>, %arg8: memref<10000x16xf32, #tpu.memory_space<vmem>>, %arg9: memref<10000x16xf32, #tpu.memory_space<vmem>>) attributes {dimension_semantics = [], scalar_prefetch = 0 : i64, scratch_operands = 0 : i64, tpu.core_type = #tpu.core_type<tc>} {
    %get3A = arith.constant 0 : index
    %get3A_0 = arith.constant 0 : index
    %get3A_1 = arith.constant 0 : index
    %get3A_2 = vector.load %arg1[%get3A, %get3A_0, %get3A_1] : memref<2x10112x8xf32, #tpu.memory_space<vmem>>, vector<1x10000x1xf32>
    %get3A_3 = vector.shape_cast %get3A_2 : vector<1x10000x1xf32> to vector<10000x1xf32>
    %get3A_4 = arith.constant 1 : index
    %get3A_5 = arith.constant 0 : index
    %get3A_6 = arith.constant 0 : index
    %get3A_7 = vector.load %arg1[%get3A_4, %get3A_5, %get3A_6] : memref<2x10112x8xf32, #tpu.memory_space<vmem>>, vector<1x10000x1xf32>
    %get3A_8 = vector.shape_cast %get3A_7 : vector<1x10000x1xf32> to vector<10000x1xf32>
    %add3A = arith.addf %get3A_3, %get3A_8 : vector<10000x1xf32>
    %max3A = arith.constant 1.000000e+00 : f32
    %max3A_9 = vector.broadcast %max3A : f32 to vector<10000x1xf32>
    %max3A_10 = arith.maximumf %add3A, %max3A_9 : vector<10000x1xf32>
    %div3A = arith.constant 1.000000e+00 : f32
    %div3A_11 = vector.broadcast %div3A : f32 to vector<10000x1xf32>
    %div3A_12 = arith.divf %div3A_11, %max3A_10 : vector<10000x1xf32>
    %get3A_13 = arith.constant 0 : index
    %get3A_14 = arith.constant 0 : index
    %get3A_15 = arith.constant 0 : index
    %get3A_16 = vector.load %arg0[%get3A_13, %get3A_14, %get3A_15] : memref<2x10112x32xf32, #tpu.memory_space<vmem>>, vector<1x10000x32xf32>
    %get3A_17 = vector.shape_cast %get3A_16 : vector<1x10000x32xf32> to vector<10000x32xf32>
    %get3A_18 = arith.constant 1 : index
    %get3A_19 = arith.constant 0 : index
    %get3A_20 = arith.constant 0 : index
    %get3A_21 = vector.load %arg0[%get3A_18, %get3A_19, %get3A_20] : memref<2x10112x32xf32, #tpu.memory_space<vmem>>, vector<1x10000x32xf32>
    %get3A_22 = vector.shape_cast %get3A_21 : vector<1x10000x32xf32> to vector<10000x32xf32>
    %add3A_23 = arith.addf %get3A_17, %get3A_22 : vector<10000x32xf32>
    %mul3A = vector.broadcast %div3A_12 : vector<10000x1xf32> to vector<10000x32xf32>
    %mul3A_24 = arith.mulf %add3A_23, %mul3A : vector<10000x32xf32>
    %get3A_25 = arith.constant 0 : index
    %get3A_26 = arith.constant 0 : index
    %get3A_27 = vector.load %arg2[%get3A_25, %get3A_26] : memref<10000x32xf32, #tpu.memory_space<vmem>>, vector<10000x32xf32>
    %add3A_28 = arith.addf %mul3A_24, %get3A_27 : vector<10000x32xf32>
    %reduce_sum3A = arith.constant dense<0.000000e+00> : vector<32xf32>
    %reduce_sum3A_29 = vector.multi_reduction <add>, %add3A_28, %reduce_sum3A [0] : vector<10000x32xf32> to vector<32xf32>
    %broadcast_in_dim3A = vector.shape_cast %reduce_sum3A_29 : vector<32xf32> to vector<1x32xf32>
    %div3A_30 = arith.constant 1.000000e+04 : f32
    %div3A_31 = vector.broadcast %div3A_30 : f32 to vector<1x32xf32>
    %div3A_32 = arith.divf %broadcast_in_dim3A, %div3A_31 : vector<1x32xf32>
    %sub3A = vector.broadcast %div3A_32 : vector<1x32xf32> to vector<10000x32xf32>
    %sub3A_33 = arith.subf %add3A_28, %sub3A : vector<10000x32xf32>
    %integer_pow3A = arith.mulf %sub3A_33, %sub3A_33 : vector<10000x32xf32>
    %reduce_sum3A_34 = arith.constant dense<0.000000e+00> : vector<32xf32>
    %reduce_sum3A_35 = vector.multi_reduction <add>, %integer_pow3A, %reduce_sum3A_34 [0] : vector<10000x32xf32> to vector<32xf32>
    %broadcast_in_dim3A_36 = vector.shape_cast %reduce_sum3A_35 : vector<32xf32> to vector<1x32xf32>
    %div3A_37 = arith.constant 1.000000e+04 : f32
    %div3A_38 = vector.broadcast %div3A_37 : f32 to vector<1x32xf32>
    %div3A_39 = arith.divf %broadcast_in_dim3A_36, %div3A_38 : vector<1x32xf32>
    %sub3A_40 = vector.broadcast %div3A_32 : vector<1x32xf32> to vector<10000x32xf32>
    %sub3A_41 = arith.subf %add3A_28, %sub3A_40 : vector<10000x32xf32>
    %add3A_42 = arith.constant 9.99999974E-6 : f32
    %add3A_43 = vector.broadcast %add3A_42 : f32 to vector<1x32xf32>
    %add3A_44 = arith.addf %div3A_39, %add3A_43 : vector<1x32xf32>
    %rsqrt3A = math.rsqrt %add3A_44 : vector<1x32xf32>
    %mul3A_45 = vector.broadcast %rsqrt3A : vector<1x32xf32> to vector<10000x32xf32>
    %mul3A_46 = arith.mulf %sub3A_41, %mul3A_45 : vector<10000x32xf32>
    %get3A_47 = arith.constant 0 : index
    %get3A_48 = vector.load %arg3[%get3A_47] : memref<32xf32, #tpu.memory_space<vmem>>, vector<32xf32>
    %broadcast_in_dim3A_49 = vector.shape_cast %get3A_48 : vector<32xf32> to vector<1x32xf32>
    %mul3A_50 = vector.broadcast %broadcast_in_dim3A_49 : vector<1x32xf32> to vector<10000x32xf32>
    %mul3A_51 = arith.mulf %mul3A_46, %mul3A_50 : vector<10000x32xf32>
    %get3A_52 = arith.constant 0 : index
    %get3A_53 = vector.load %arg4[%get3A_52] : memref<32xf32, #tpu.memory_space<vmem>>, vector<32xf32>
    %broadcast_in_dim3A_54 = vector.shape_cast %get3A_53 : vector<32xf32> to vector<1x32xf32>
    %add3A_55 = vector.broadcast %broadcast_in_dim3A_54 : vector<1x32xf32> to vector<10000x32xf32>
    %add3A_56 = arith.addf %mul3A_51, %add3A_55 : vector<10000x32xf32>
    %max3A_57 = arith.constant 0.000000e+00 : f32
    %max3A_58 = vector.broadcast %max3A_57 : f32 to vector<10000x32xf32>
    %max3A_59 = arith.maximumf %add3A_56, %max3A_58 : vector<10000x32xf32>
    %get3A_60 = arith.constant 0 : index
    %get3A_61 = arith.constant 0 : index
    %get3A_62 = vector.load %arg5[%get3A_60, %get3A_61] : memref<32x16xf32, #tpu.memory_space<vmem>>, vector<32x16xf32>
    %dot_general3A = arith.constant dense<0.000000e+00> : vector<10000x16xf32>
    %dot_general3A_63 = tpu.matmul %max3A_59, %get3A_62, %dot_general3A {dimension_numbers = #tpu.dot_dimension_numbers<[1], [0], [0], [1], [0, 0, 1, 1], [], []>, transpose_lhs_hint = false} : vector<10000x32xf32>, vector<32x16xf32>, vector<10000x16xf32> -> vector<10000x16xf32>
    %swap3A = arith.constant 0 : index
    %swap3A_64 = arith.constant 0 : index
    %swap3A_65 = vector.load %arg8[%swap3A, %swap3A_64] : memref<10000x16xf32, #tpu.memory_space<vmem>>, vector<10000x16xf32>
    tpu.vector_store %arg8[%swap3A, %swap3A_64], %dot_general3A_63 {strides = array<i32>} : memref<10000x16xf32, #tpu.memory_space<vmem>>, vector<10000x16xf32>,
    %get3A_66 = arith.constant 0 : index
    %get3A_67 = arith.constant 0 : index
    %get3A_68 = vector.load %arg6[%get3A_66, %get3A_67] : memref<32x2xf32, #tpu.memory_space<vmem>>, vector<32x2xf32>
    %dot_general3A_69 = arith.constant dense<0.000000e+00> : vector<10000x2xf32>
    %dot_general3A_70 = tpu.matmul %max3A_59, %get3A_68, %dot_general3A_69 {dimension_numbers = #tpu.dot_dimension_numbers<[1], [0], [0], [1], [0, 0, 1, 1], [], []>, transpose_lhs_hint = false} : vector<10000x32xf32>, vector<32x2xf32>, vector<10000x2xf32> -> vector<10000x2xf32>
    %get3A_71 = arith.constant 0 : index
    %get3A_72 = vector.load %arg7[%get3A_71] : memref<2xf32, #tpu.memory_space<vmem>>, vector<2xf32>
    %broadcast_in_dim3A_73 = vector.shape_cast %get3A_72 : vector<2xf32> to vector<1x2xf32>
    %add3A_74 = vector.broadcast %broadcast_in_dim3A_73 : vector<1x2xf32> to vector<10000x2xf32>
    %add3A_75 = arith.addf %dot_general3A_70, %add3A_74 : vector<10000x2xf32>
    %broadcast_in_dim3A_76 = arith.constant 0.000000e+00 : f32
    %broadcast_in_dim3A_77 = vector.broadcast %broadcast_in_dim3A_76 : f32 to vector<10000x13xf32>
    %concatenate3A = tpu.concatenate %add3A_75, %div3A_12, %broadcast_in_dim3A_77 in 1 : vector<10000x2xf32>, vector<10000x1xf32>, vector<10000x13xf32> -> vector<10000x16xf32>
    %swap3A_78 = arith.constant 0 : index
    %swap3A_79 = arith.constant 0 : index
    %swap3A_80 = vector.load %arg9[%swap3A_78, %swap3A_79] : memref<10000x16xf32, #tpu.memory_space<vmem>>, vector<10000x16xf32>
    tpu.vector_store %arg9[%swap3A_78, %swap3A_79], %concatenate3A {strides = array<i32>} : memref<10000x16xf32, #tpu.memory_space<vmem>>, vector<10000x16xf32>,
    return
  }
}

module attributes {stable_mosaic.version = 14 : i64} {
  func.func @body(%arg0: memref<2x10112x16xf32, #tpu.memory_space<vmem>>, %arg1: memref<10000x16xf32, #tpu.memory_space<vmem>>, %arg2: memref<2xf32, #tpu.memory_space<vmem>>, %arg3: memref<2xf32, #tpu.memory_space<vmem>>, %arg4: memref<10000x2xf32, #tpu.memory_space<vmem>>) attributes {dimension_semantics = [], scalar_prefetch = 0 : i64, scratch_operands = 0 : i64, tpu.core_type = #tpu.core_type<tc>} {
    %get3A = arith.constant 0 : index
    %get3A_0 = arith.constant 2 : index
    %get3A_1 = vector.load %arg1[%get3A, %get3A_0] : memref<10000x16xf32, #tpu.memory_space<vmem>>, vector<10000x1xf32>
    %get3A_2 = arith.constant 0 : index
    %get3A_3 = arith.constant 0 : index
    %get3A_4 = arith.constant 0 : index
    %get3A_5 = vector.load %arg0[%get3A_2, %get3A_3, %get3A_4] : memref<2x10112x16xf32, #tpu.memory_space<vmem>>, vector<1x10000x2xf32>
    %get3A_6 = vector.shape_cast %get3A_5 : vector<1x10000x2xf32> to vector<10000x2xf32>
    %get3A_7 = arith.constant 1 : index
    %get3A_8 = arith.constant 0 : index
    %get3A_9 = arith.constant 0 : index
    %get3A_10 = vector.load %arg0[%get3A_7, %get3A_8, %get3A_9] : memref<2x10112x16xf32, #tpu.memory_space<vmem>>, vector<1x10000x2xf32>
    %get3A_11 = vector.shape_cast %get3A_10 : vector<1x10000x2xf32> to vector<10000x2xf32>
    %add3A = arith.addf %get3A_6, %get3A_11 : vector<10000x2xf32>
    %mul3A = vector.broadcast %get3A_1 : vector<10000x1xf32> to vector<10000x2xf32>
    %mul3A_12 = arith.mulf %add3A, %mul3A : vector<10000x2xf32>
    %get3A_13 = arith.constant 0 : index
    %get3A_14 = arith.constant 0 : index
    %get3A_15 = vector.load %arg1[%get3A_13, %get3A_14] : memref<10000x16xf32, #tpu.memory_space<vmem>>, vector<10000x2xf32>
    %add3A_16 = arith.addf %mul3A_12, %get3A_15 : vector<10000x2xf32>
    %reduce_sum3A = arith.constant dense<0.000000e+00> : vector<2xf32>
    %reduce_sum3A_17 = vector.multi_reduction <add>, %add3A_16, %reduce_sum3A [0] : vector<10000x2xf32> to vector<2xf32>
    %broadcast_in_dim3A = vector.shape_cast %reduce_sum3A_17 : vector<2xf32> to vector<1x2xf32>
    %div3A = arith.constant 1.000000e+04 : f32
    %div3A_18 = vector.broadcast %div3A : f32 to vector<1x2xf32>
    %div3A_19 = arith.divf %broadcast_in_dim3A, %div3A_18 : vector<1x2xf32>
    %sub3A = vector.broadcast %div3A_19 : vector<1x2xf32> to vector<10000x2xf32>
    %sub3A_20 = arith.subf %add3A_16, %sub3A : vector<10000x2xf32>
    %integer_pow3A = arith.mulf %sub3A_20, %sub3A_20 : vector<10000x2xf32>
    %reduce_sum3A_21 = arith.constant dense<0.000000e+00> : vector<2xf32>
    %reduce_sum3A_22 = vector.multi_reduction <add>, %integer_pow3A, %reduce_sum3A_21 [0] : vector<10000x2xf32> to vector<2xf32>
    %broadcast_in_dim3A_23 = vector.shape_cast %reduce_sum3A_22 : vector<2xf32> to vector<1x2xf32>
    %div3A_24 = arith.constant 1.000000e+04 : f32
    %div3A_25 = vector.broadcast %div3A_24 : f32 to vector<1x2xf32>
    %div3A_26 = arith.divf %broadcast_in_dim3A_23, %div3A_25 : vector<1x2xf32>
    %sub3A_27 = vector.broadcast %div3A_19 : vector<1x2xf32> to vector<10000x2xf32>
    %sub3A_28 = arith.subf %add3A_16, %sub3A_27 : vector<10000x2xf32>
    %add3A_29 = arith.constant 9.99999974E-6 : f32
    %add3A_30 = vector.broadcast %add3A_29 : f32 to vector<1x2xf32>
    %add3A_31 = arith.addf %div3A_26, %add3A_30 : vector<1x2xf32>
    %rsqrt3A = math.rsqrt %add3A_31 : vector<1x2xf32>
    %mul3A_32 = vector.broadcast %rsqrt3A : vector<1x2xf32> to vector<10000x2xf32>
    %mul3A_33 = arith.mulf %sub3A_28, %mul3A_32 : vector<10000x2xf32>
    %get3A_34 = arith.constant 0 : index
    %get3A_35 = vector.load %arg2[%get3A_34] : memref<2xf32, #tpu.memory_space<vmem>>, vector<2xf32>
    %broadcast_in_dim3A_36 = vector.shape_cast %get3A_35 : vector<2xf32> to vector<1x2xf32>
    %mul3A_37 = vector.broadcast %broadcast_in_dim3A_36 : vector<1x2xf32> to vector<10000x2xf32>
    %mul3A_38 = arith.mulf %mul3A_33, %mul3A_37 : vector<10000x2xf32>
    %get3A_39 = arith.constant 0 : index
    %get3A_40 = vector.load %arg3[%get3A_39] : memref<2xf32, #tpu.memory_space<vmem>>, vector<2xf32>
    %broadcast_in_dim3A_41 = vector.shape_cast %get3A_40 : vector<2xf32> to vector<1x2xf32>
    %add3A_42 = vector.broadcast %broadcast_in_dim3A_41 : vector<1x2xf32> to vector<10000x2xf32>
    %add3A_43 = arith.addf %mul3A_38, %add3A_42 : vector<10000x2xf32>
    %reduce_max3A = arith.constant dense<0xFF800000> : vector<10000xf32>
    %reduce_max3A_44 = vector.multi_reduction <maximumf>, %add3A_43, %reduce_max3A [1] : vector<10000x2xf32> to vector<10000xf32>
    %broadcast_in_dim3A_45 = vector.shape_cast %reduce_max3A_44 : vector<10000xf32> to vector<10000x1xf32>
    %sub3A_46 = vector.broadcast %broadcast_in_dim3A_45 : vector<10000x1xf32> to vector<10000x2xf32>
    %sub3A_47 = arith.subf %add3A_43, %sub3A_46 : vector<10000x2xf32>
    %exp3A = math.exp %sub3A_47 : vector<10000x2xf32>
    %reduce_sum3A_48 = arith.constant dense<0.000000e+00> : vector<10000xf32>
    %reduce_sum3A_49 = vector.multi_reduction <add>, %exp3A, %reduce_sum3A_48 [1] : vector<10000x2xf32> to vector<10000xf32>
    %broadcast_in_dim3A_50 = vector.shape_cast %reduce_sum3A_49 : vector<10000xf32> to vector<10000x1xf32>
    %log3A = math.log %broadcast_in_dim3A_50 : vector<10000x1xf32>
    %add3A_51 = arith.addf %log3A, %broadcast_in_dim3A_45 : vector<10000x1xf32>
    %sub3A_52 = vector.broadcast %add3A_51 : vector<10000x1xf32> to vector<10000x2xf32>
    %sub3A_53 = arith.subf %add3A_43, %sub3A_52 : vector<10000x2xf32>
    %swap3A = arith.constant 0 : index
    %swap3A_54 = arith.constant 0 : index
    %swap3A_55 = vector.load %arg4[%swap3A, %swap3A_54] : memref<10000x2xf32, #tpu.memory_space<vmem>>, vector<10000x2xf32>
    tpu.vector_store %arg4[%swap3A, %swap3A_54], %sub3A_53 {strides = array<i32>} : memref<10000x2xf32, #tpu.memory_space<vmem>>, vector<10000x2xf32>,
    return
  }
}

</mosaic_0001>

<sc_bundles>
// kernel: kernel.10.cloned.1.call-start
scs
__scs_entry_jumppad:
0x0: {  	(pc) =	sbr.rel $0x88, $3  }
0x1: {  	(tag) =	ssettag $0x0;
	lr =	simm.s32 $0x1  }
0x2: {  	[smem:$0x3F95] =	sst lr;
	_ =	strace $0xD0000000  }
0x3: {  	_ = 	snop  }
0x4: {  	_ = 	snop  }
0x5: {  	_ = 	snop  }
0x6: {  	_ = 	snop  }
0x7: {  	_ = 	snop  }
__scs_overlays_trampoline_lowered:
0x8: {  	[smem:$0x3FA4] =	sst s0  }
0x9: {  	[smem:$0x3FA5] =	sst s1  }
0xa: {  	[smem:$0x3FA6] =	sst s2  }
0xb: {  	[smem:$0x3FA7] =	sst s3  }
0xc: {  	[smem:$0x3FA8] =	sst s4  }
0xd: {  	[smem:$0x3FA9] =	sst s5  }
0xe: {  	[smem:$0x3FAA] =	sst s6  }
0xf: {  	[smem:$0x3FAB] =	sst s7  }
0x10: {  	[smem:$0x3FAC] =	sst s8  }
0x11: {  	[smem:$0x3FAD] =	sst s9;
	s0 =	simm.s32 @!p0 $0x0  }
0x12: {  	s1 =	sld [smem:$0x3F93];
	s0 =	simm.s32 @p0 $0x1  }
0x13: {  	[smem:$0x3FAE] =	sst s0;
	s0 =	simm.s32 @!p1 $0x0  }
0x14: {  	s2 =	sld [smem:$0x3F92];
	s0 =	simm.s32 @p1 $0x1  }
0x15: {  	[smem:$0x3FAF] =	sst s0;
	s0 =	simm.s32 @!p2 $0x0  }
0x16: {  	s3 =	sld [smem:$0x3FDB];
	s0 =	simm.s32 @p2 $0x1  }
0x17: {  	s4 =	simm.s32 $0x1BF5;
	[smem:$0x3FB1] =	sst s0  }
0x18: {  	s0 =	sld [smem:$0x3F94];
	_ =	swait.ge [sflag:s4], $0x0  }
0x19: {  	s7 =	sld [smem:$0x3F95]  }
0x1a: {  	s8 =	sadd.s32 $0xFFFFE003, lr  }
0x1b: {  	s9 =	sadd.s32 $0xFFFFFEF7, lr;
	s5 =	simm.s32 $0xFFFFFFFF;
	p2 =	slt.u32 s8, $0xFFFFF086  }
0x1c: {  	p1 =	slt.u32 s9, $0xF7A;
	s5 =	simm.s32 @!p2 $0x0  }
0x1d: {  	s5 =	simm.s32 @p1 $0x1;
	p0 =	seq.s32 s7, s2  }
0x1e: {  	s7 =	smul.u32 @!p0 $0xF7A, s2;
	p2 =	seq.s32 @!p0 s5, $0x0  }
0x1f: {  	s9 =	smul.u32 $0xF7A, s1;
	s8 =	simm.s32 @!p0 $0x1BF5;
	p2 =	por !p2, p0  }
0x20: {  	[sflag:s8] =	ssyncset.s32 @!p0 $0xFFFFF086;
	s6 =	sadd.s32 @!p0 s3, s7;
	s7 =	simm.s32 @!p0 $0x108  }
0x21: {  	s3 =	sadd.s32 s3, s9;
	s6 =	sadd.s32 @!p0 $0x88, s6;
	s7 =	simm.s32 @p2 $0x1082  }
0x22: {  	[simem:s7], [sflag:s8] =	dma.local @!p0 [hbm:s6], $0xF7A  }
0x23: {  	s9 =	sor.u32 $0xD0000000, s2;
	s6 =	simm.s32 $0x108;
	_ =	swait.ge @!p0 [sflag:s8], $0x0  }
0x24: {  	s3 =	sadd.s32 $0x88, s3;
	s6 =	simm.s32 @!p1 $0x1082;
	[sflag:s4] =	ssyncset.s32 $0xFFFFF086  }
0x25: {  	[simem:s6], [sflag:s4] =	dma.local [hbm:s3], $0xF7A  }
0x26: {  	[smem:$0x3F95] =	sst s1;
	(tag) =	ssettag s2;
	_ =	strace s9  }
0x27: {  	s1 =	sld [smem:$0x3FA5]  }
0x28: {  	s2 =	sld [smem:$0x3FA6]  }
0x29: {  	s4 =	sld [smem:$0x3FA8]  }
0x2a: {  	p0 =	seq.s32 s5, $0x0;
	s5 =	sld [smem:$0x3FA9]  }
0x2b: {  	s6 =	sld [smem:$0x3FAA]  }
0x2c: {  	s7 =	sld [smem:$0x3FAB]  }
0x2d: {  	s3 =	simm.s32 $0x108;
	s8 =	sld [smem:$0x3FAC]  }
0x2e: {  	s3 =	simm.s32 @!p0 $0x1082;
	s9 =	sld [smem:$0x3FAD]  }
0x2f: {  	lr =	sadd.s32 s0, s3;
	s0 =	sld [smem:$0x3FA4]  }
0x30: {  	s3 =	sld [smem:$0x3FA7]  }
0x31: {  	[smem:$0x3FB0] =	sst s10  }
0x32: {  	s10 =	sld [smem:$0x3FAE];
	_ =	sdelay $0x3  }
0x33: {  	p0 =	seq.s32 s10, $0x1;
	s10 =	sld [smem:$0x3FB0];
	_ =	sdelay $0x3  }
0x34: {  	[smem:$0x3FB0] =	sst s10  }
0x35: {  	s10 =	sld [smem:$0x3FAF];
	_ =	sdelay $0x3  }
0x36: {  	p1 =	seq.s32 s10, $0x1;
	s10 =	sld [smem:$0x3FB0];
	_ =	sdelay $0x3  }
0x37: {  	[smem:$0x3FB0] =	sst s10  }
0x38: {  	s10 =	sld [smem:$0x3FB1]  }
0x39: {  	_ = 	snop;
	(pc) =	sbr.ind lr, $3  }
0x3a: {  	_ = 	snop  }
0x3b: {  	_ = 	snop  }
0x3c: {  	p2 =	seq.s32 s10, $0x1;
	s10 =	sld [smem:$0x3FB0]  }
0x3d: {  	_ =	shalt  }
0x3e: {  	_ =	shalt  }
0x3f: {  	_ =	shalt  }
0x40: {  	_ =	shalt  }
0x41: {  	_ =	shalt  }
0x42: {  	_ =	shalt  }
0x43: {  	_ =	shalt  }
0x44: {  	_ =	shalt  }
0x45: {  	_ =	shalt  }
0x46: {  	_ =	shalt  }
0x47: {  	_ =	shalt  }
0x48: {  	_ =	shalt  }
0x49: {  	_ =	shalt  }
0x4a: {  	_ =	shalt  }
0x4b: {  	_ =	shalt  }
0x4c: {  	_ =	shalt  }
0x4d: {  	_ =	shalt  }
0x4e: {  	_ =	shalt  }
0x4f: {  	_ =	shalt  }
0x50: {  	_ =	shalt  }
0x51: {  	_ =	shalt  }
0x52: {  	_ =	shalt  }
0x53: {  	_ =	shalt  }
0x54: {  	_ =	shalt  }
0x55: {  	_ =	shalt  }
0x56: {  	_ =	shalt  }
0x57: {  	_ =	shalt  }
0x58: {  	_ =	shalt  }
0x59: {  	_ =	shalt  }
0x5a: {  	_ =	shalt  }
0x5b: {  	_ =	shalt  }
0x5c: {  	_ =	shalt  }
0x5d: {  	_ =	shalt  }
0x5e: {  	_ =	shalt  }
0x5f: {  	_ =	shalt  }
0x60: {  	_ =	shalt  }
0x61: {  	_ =	shalt  }
0x62: {  	_ =	shalt  }
0x63: {  	_ =	shalt  }
0x64: {  	_ =	shalt  }
0x65: {  	_ =	shalt  }
0x66: {  	_ =	shalt  }
0x67: {  	_ =	shalt  }
0x68: {  	_ =	shalt  }
0x69: {  	_ =	shalt  }
0x6a: {  	_ =	shalt  }
0x6b: {  	_ =	shalt  }
0x6c: {  	_ =	shalt  }
0x6d: {  	_ =	shalt  }
0x6e: {  	_ =	shalt  }
0x6f: {  	_ =	shalt  }
0x70: {  	_ =	shalt  }
0x71: {  	_ =	shalt  }
0x72: {  	_ =	shalt  }
0x73: {  	_ =	shalt  }
0x74: {  	_ =	shalt  }
0x75: {  	_ =	shalt  }
0x76: {  	_ =	shalt  }
0x77: {  	_ =	shalt  }
0x78: {  	_ =	shalt  }
0x79: {  	_ =	shalt  }
0x7a: {  	_ =	shalt  }
0x7b: {  	_ =	shalt  }
0x7c: {  	_ =	shalt  }
0x7d: {  	_ =	shalt  }
0x7e: {  	_ =	shalt  }
0x7f: {  	_ =	shalt  }
0x80: {  	_ =	shalt  }
0x81: {  	_ =	shalt  }
0x82: {  	_ =	shalt  }
0x83: {  	_ =	shalt  }
0x84: {  	_ =	shalt  }
0x85: {  	_ =	shalt  }
0x86: {  	_ =	shalt  }
0x87: {  	_ =	shalt  }
.Lfunc_end0:
.L_simem_size_0:
called_computation.1_lowered:
.L_overlay_start_0:
0x88: {  	s2 =	sld [smem:$0x3FD9]  }
0x89: {  	s3 =	sld [smem:$0x3FFE];
	_ =	sdelay $0x1  }
0x8a: {  	s1 =	srdreg.scid  }
0x8b: {  	s0 =	sand.u32 $0x1, s1  }
0x8c: {  	s17 =	sshll.u32 s0, $0xA;
	s2 =	sadd.s32 s3, s2  }
0x8d: {  	s2 =	sadd.s32 s2, s17  }
0x8e: {  	[smem:$0x3FBC] =	sst s2  }
0x8f: {  	_ = 	snop  }
0x90: {  	s2 =	sld [smem:$0x3FD0];
	(tm) =	ssettm $0x1  }
0x91: {  	s18 =	sld [smem:$0x3FFB];
	_ =	sdelay $0x3  }
0x92: {  	_ =	strace s18  }
0x93: {  	s3 =	sld [smem:$0x3FFC];
	_ =	sdelay $0x3  }
0x94: {  	_ =	strace s3  }
0x95: {  	s3 =	sld [smem:$0x3FFD];
	_ =	sdelay $0x3  }
0x96: {  	_ =	strace s3  }
0x97: {  	_ =	strace $0x8FFFFFFF  }
0x98: {  	s19 =	sld [smem:$0x3FDB];
	_ =	sdelay $0x1  }
0x99: {  	s4 =	simm.s32 $_scs_section_size  }
0x9a: {  	s5 =	simm.s32 $_size__tile_overlayer_lowered;
	s6 =	simm.s32 $_tile_overlayer_lowered  }
0x9b: {  	s22 =	simm.s32 $0x1BFF;
	s21 =	sshll.u32 s6, $0x1;
	s3 =	sadd.s32 s4, s19  }
0x9c: {  	s7 =	simm.s32 $0x0;
	s20 =	sshll.u32 s5, $0x1;
	s5 =	sadd.s32 s21, s3  }
0x9d: {  	[timem:s7], [sflag:s22] =	dma.local [hbm:s5], s20  }
0x9e: {  	_ =	swait.ge [sflag:s22], s20  }
0x9f: {  	s4 =	ssub.s32 $0x0, s20;
	[sflag:s22] =	ssyncset.done $0x0  }
0xa0: {  	[sflag:s22] =	ssyncadd.s32 s4;
	_ =	sdelay $0x1  }
0xa1: {  	s23 =	simm.s32 $0x1B8B  }
0xa2: {  	_ =	swait.ge [sflag:s23], $0x1  }
0xa3: {  	[sflag:s23] =	ssyncset.done $0x0  }
0xa4: {  	s25 =	simm.s32 $0x1B8E;
	s24 =	sld [smem:$0x3FFE];
	[sflag:s23] =	ssyncadd.s32 $0xFFFFFFFF  }
0xa5: {  	s26 =	simm.s32 $execute0_lowered;
	[smem:$0x3FD2] =	sst s25  }
0xa6: {  	s5 =	sshll.u32 s26, $0x1;
	_ =	strace $0x80000049;
	[dreg:$0x1] =	wrdreg $0xFFFFFFFF  }
0xa7: {  	s28 =	simm.s32 $_size_execute0_lowered;
	s3 =	sadd.s32 s3, s5;
	[dreg:$0x0] =	wrdreg $0x0  }
0xa8: {  	s5 =	sshll.u32 s28, $0x1;
	[dreg:$0x2] =	wrdreg s3  }
0xa9: {  	[dreg:$0x3] =	wrdreg s5  }
0xaa: {  	[dreg:$0x4] =	wrdreg $0xC0  }
0xab: {  	_ =	task [dreg:s7], $0x5FFFF  }
0xac: {  	[dreg:$0x1] =	wrdreg $0xFFFFFFFF  }
0xad: {  	[dreg:$0x0] =	wrdreg $0x60  }
0xae: {  	[dreg:$0x2] =	wrdreg s24  }
0xaf: {  	[dreg:$0x3] =	wrdreg s2  }
0xb0: {  	[dreg:$0x4] =	wrdreg $0x8E800  }
0xb1: {  	[dreg:$0x5] =	wrdreg $0x9  }
0xb2: {  	_ =	task.clear_ibuf [dreg:s7], $0x6FFFF;
	_ =	strace $0x90000049  }
0xb3: {  	s29 =	simm.s32 $0x9;
	_ =	strace $0x8000004B  }
0xb4: {  	_ =	swait.ge [sflag:s29], $0x1  }
0xb5: {  	[sflag:s29] =	ssyncadd.s32 $0xFFFFFFFF  }
0xb6: {  	_ =	strace $0x9000004B  }
0xb7: {  	_ =	sfence  }
0xb8: {  	s30 =	sld [smem:$0x0];
	_ =	sdelay $0x2  }
0xb9: {  	s31 =	sshll.u32 s1, $0xD;
	s1 =	sshrl.u32 s1, $0x2  }
0xba: {  	s3 =	sand.u32 $0x4000, s31;
	s1 =	sadd.s32 s1, s30  }
0xbb: {  	s0 =	sor.u32 s3, s0;
	s1 =	sshll.u32 s1, $0x11  }
0xbc: {  	s0 =	sor.u32 s1, s0  }
0xbd: {  	s0 =	sadd.s32 $0x8F2B, s0  }
0xbe: {  	[sflag:s0] =	ssyncadd.remote.s32 $0x1  }
0xbf: {  	_ =	sfence.sel $0xFFFF  }
0xc0: {  	[dreg:$0x0] =	wrdreg $0xFFFFFFFF;
	(pc) =	sbr.abs _section_cstart, $3  }
0xc1: {  	[dreg:$0x1] =	wrdreg $0xFFFFFFFF  }
0xc2: {  	_ =	task.clear_ibuf [dreg:s7], $0x2FFFF;
	_ =	strace $0x9FFFFFFF  }
0xc3: {  	(tm) =	ssettm $0x7FFFFFFF  }
tec
execute0_lowered:
.L_overlay_start_1:
0x0: {  	(tag) =	ssettag $0x1  }
0x1: {  	s0 =	srdreg.scid;
	s1 =	rddreg [dreg:$0x0]  }
0x2: {  	s9 =	stileid.u32;
	s3 =	rddreg [dreg:$0x2]  }
0x3: {  	s4 =	simm.s32 $0x0;
	s12 =	simm.s32 $0x9;
	s14 =	simm.s32 $0xFA  }
0x4: {  	s15 =	simm.s32 $0x5000;
	s17 =	simm.s32 $0x5FA0;
	s19 =	simm.s32 $0x6F40  }
0x5: {  	s21 =	simm.s32 $0x7EE0;
	s22 =	simm.s32 $0x1;
	s23 =	simm.s32 $0x5  }
0x6: {  	s24 =	simm.s32 $0x2;
	s25 =	simm.s32 $0x6;
	s28 =	simm.s32 $0x7  }
0x7: {  	s29 =	simm.s32 $0x4;
	s30 =	simm.s32 $0x8;
	s31 =	simm.s32 $0x4C00  }
0x8: {  	s13 =	simm.s32 $0x0;
	s0 =	sand.u32 $0x1, s0;
	s6 =	smul.u32 $0x2780, s9  }
0x9: {  	[smem:$0x7FF] =	sst s4;
	s5 =	sadd.s32 $0x2600, s1;
	s26 =	sshll.u32 s9, $0x6  }
0xa: {  	s2 =	sshll.u32 s0, $0x4;
	s7 =	smul.u32 $0x27800, s0;
	s0 =	ssub.s32 $0x2, s0  }
0xb: {  	_ =	strace $0x8000004A;
	s2 =	sor.u32 s9, s2;
	s8 =	sshrl.u32 s0, $0x1  }
0xc: {  	s11 =	sadd.s32 s6, s3;
	s2 =	smul.u32 $0x2800, s2;
	s7 =	sadd.s32 s6, s7  }
0xd: {  	s0 =	ssub.s32 s0, s8;
	s6 =	sor.u32 $0x1C09, s26;
	s11 =	sshrl.u32 s11, $0x3  }
0xe: {  	s26 =	simm.s32 $0x3;
	s7 =	sshrl.u32 s7, $0x3;
	s2 =	sshrl.u32 s2, $0x3  }
0xf: {  	s10 =	smax.u32 s0, $0x1;
	s0 =	simm.s32 $0x4E00;
	s2 =	sadd.s32 s2, s1  }
0x10: {  	s1 =	sadd.s32 s7, s1;
	s7 =	sadd.s32 $0xC400, s2;
	s8 =	sadd.s32 $0x16400, s2  }
0x11: {  	s9 =	sadd.s32 $0x20400, s1;
	s1 =	simm.s32 $0x4D00;
	s2 =	simm.s32 $0x4F00  }
.LBB2_1:
0x12: {  	s16 =	rddreg [dreg:$0x1]  }
0x13: {  	[spmem:s11], [sflag:s6] =	dma.local [hbm:s16], $0x4F0  }
0x14: {  	_ =	swait.ge [sflag:s12], $0x4F0  }
0x15: {  	[sflag:s12] =	ssyncset.done $0x0  }
0x16: {  	[sflag:s12] =	ssyncadd.s32 $0xFFFFFB10  }
0x17: {  	[tilespmem:s4], [sflag:$0x9] =	stream.linear.gather [hbm4b:s7+s4], $0x2800, $0x38;
	[tilespmem:$0xB600] =	vst v63  }
0x18: {  	_ =	swait.ge [sflag:s12], $0x2800  }
0x19: {  	[sflag:s12] =	ssyncset.done $0x0  }
0x1a: {  	s20 =	simm.s32 $0x2800;
	[sflag:s12] =	ssyncadd.s32 $0xFFFFD800  }
0x1b: {  	[tilespmem:s20], [sflag:$0x9] =	stream.linear.gather [hbm4b:s8+s4], $0x2800, $0x38;
	[tilespmem:$0xB600] =	vst v63  }
0x1c: {  	_ =	swait.ge [sflag:s12], $0x2800  }
0x1d: {  	[sflag:s12] =	ssyncset.done $0x0  }
0x1e: {  	[sflag:s12] =	ssyncadd.s32 $0xFFFFD800  }
0x1f: {  	[tilespmem:s15], [sflag:$0x1] =	stream.indirect.gather [hbm4b:s5+s14], $0x10, s4, s14, $0xb8;
	[tilespmem:$0xB600] =	vst v63  }
0x20: {  	s18 =	simm.s32 $0x100  }
0x21: {  	[tilespmem:s17], [sflag:$0x2] =	stream.indirect.gather [hbm4b:s5+s14], $0x10, s18, s14, $0xb8;
	[tilespmem:$0xB600] =	vst v63  }
0x22: {  	s20 =	simm.s32 $0x200  }
0x23: {  	[tilespmem:s19], [sflag:$0x3] =	stream.indirect.gather [hbm4b:s5+s14], $0x10, s20, s14, $0xb8;
	[tilespmem:$0xB600] =	vst v63  }
0x24: {  	s18 =	simm.s32 $0x300  }
0x25: {  	[tilespmem:s21], [sflag:$0x4] =	stream.indirect.gather [hbm4b:s5+s14], $0x10, s18, s14, $0xb8;
	[tilespmem:$0xB600] =	vst v63  }
0x26: {  	[bflag:$0x0] =	sbarrier.arrive $0xFFFF  }
0x27: {  	_ =	swait.ge [sflag:s22], $0xFA0  }
0x28: {  	[sflag:s22] =	ssyncset.done $0x0  }
0x29: {  	s20 =	simm.s32 $0x2800;
	[sflag:s22] =	ssyncadd.s32 $0xFFFFF060  }
0x2a: {  	[spmem:s3] =	stream.indirect.scatter.add.f32 [tilespmem:s15], [sflag:$0x5], $0x10, s20, s14, $0xb8;
	[tilespmem:$0xB600] =	vst v63  }
0x2b: {  	_ =	swait.ge [sflag:s23], $0xFA0  }
0x2c: {  	[sflag:s23] =	ssyncset.done $0x0  }
0x2d: {  	s18 =	simm.s32 $0x400;
	[sflag:s23] =	ssyncadd.s32 $0xFFFFF060  }
0x2e: {  	[tilespmem:s15], [sflag:$0x1] =	stream.indirect.gather [hbm4b:s5+s14], $0x10, s18, s14, $0xb8;
	[tilespmem:$0xB600] =	vst v63  }
0x2f: {  	_ =	swait.ge [sflag:s24], $0xFA0  }
0x30: {  	[sflag:s24] =	ssyncset.done $0x0  }
0x31: {  	s20 =	simm.s32 $0x2900;
	[sflag:s24] =	ssyncadd.s32 $0xFFFFF060  }
0x32: {  	[spmem:s3] =	stream.indirect.scatter.add.f32 [tilespmem:s17], [sflag:$0x6], $0x10, s20, s14, $0xb8;
	[tilespmem:$0xB600] =	vst v63  }
0x33: {  	_ =	swait.ge [sflag:s25], $0xFA0  }
0x34: {  	[sflag:s25] =	ssyncset.done $0x0  }
0x35: {  	s18 =	simm.s32 $0x500;
	[sflag:s25] =	ssyncadd.s32 $0xFFFFF060  }
0x36: {  	[tilespmem:s17], [sflag:$0x2] =	stream.indirect.gather [hbm4b:s5+s14], $0x10, s18, s14, $0xb8;
	[tilespmem:$0xB600] =	vst v63  }
0x37: {  	_ =	swait.ge [sflag:s26], $0xFA0  }
0x38: {  	[sflag:s26] =	ssyncset.done $0x0  }
0x39: {  	s20 =	simm.s32 $0x2A00;
	[sflag:s26] =	ssyncadd.s32 $0xFFFFF060  }
0x3a: {  	[spmem:s3] =	stream.indirect.scatter.add.f32 [tilespmem:s19], [sflag:$0x7], $0x10, s20, s14, $0xb8;
	[tilespmem:$0xB600] =	vst v63  }
0x3b: {  	_ =	swait.ge [sflag:s28], $0xFA0  }
0x3c: {  	[sflag:s28] =	ssyncset.done $0x0  }
0x3d: {  	s18 =	simm.s32 $0x600;
	[sflag:s28] =	ssyncadd.s32 $0xFFFFF060  }
0x3e: {  	[tilespmem:s19], [sflag:$0x3] =	stream.indirect.gather [hbm4b:s5+s14], $0x10, s18, s14, $0xb8;
	[tilespmem:$0xB600] =	vst v63  }
0x3f: {  	_ =	swait.ge [sflag:s29], $0xFA0  }
0x40: {  	[sflag:s29] =	ssyncset.done $0x0  }
0x41: {  	s20 =	simm.s32 $0x2B00;
	[sflag:s29] =	ssyncadd.s32 $0xFFFFF060  }
0x42: {  	[spmem:s3] =	stream.indirect.scatter.add.f32 [tilespmem:s21], [sflag:$0x8], $0x10, s20, s14, $0xb8;
	[tilespmem:$0xB600] =	vst v63  }
0x43: {  	_ =	swait.ge [sflag:s30], $0xFA0  }
0x44: {  	[sflag:s30] =	ssyncset.done $0x0  }
0x45: {  	s16 =	simm.s32 $0x1000;
	s18 =	simm.s32 $0x700;
	[sflag:s30] =	ssyncadd.s32 $0xFFFFF060  }
.LBB2_2:
0x46: {  	[tilespmem:s21], [sflag:$0x4] =	stream.indirect.gather [hbm4b:s5+s14], $0x10, s18, s14, $0xb8;
	[tilespmem:$0xB600] =	vst v63  }
0x47: {  	s18 =	smov.u32 s16  }
0x48: {  	p0 =	sne.s32 s16, $0x8000;
	s16 =	sadd.s32 $0x1000, s16;
	_ =	swait.ge [sflag:s22], $0xFA0  }
0x49: {  	s18 =	sshra.s32 s18, $0x2;
	[sflag:s22] =	ssyncset.done $0x0  }
0x4a: {  	s20 =	sadd.s32 $0x2800, s18;
	[sflag:s22] =	ssyncadd.s32 $0xFFFFF060  }
0x4b: {  	[spmem:s3] =	stream.indirect.scatter.add.f32 [tilespmem:s15], [sflag:$0x5], $0x10, s20, s14, $0xb8;
	[tilespmem:$0xB600] =	vst v63  }
0x4c: {  	_ =	swait.ge [sflag:s23], $0xFA0  }
0x4d: {  	[sflag:s23] =	ssyncset.done $0x0  }
0x4e: {  	s20 =	sadd.s32 $0x400, s18;
	[sflag:s23] =	ssyncadd.s32 $0xFFFFF060  }
0x4f: {  	[tilespmem:s15], [sflag:$0x1] =	stream.indirect.gather [hbm4b:s5+s14], $0x10, s20, s14, $0xb8;
	[tilespmem:$0xB600] =	vst v63  }
0x50: {  	_ =	swait.ge [sflag:s24], $0xFA0  }
0x51: {  	[sflag:s24] =	ssyncset.done $0x0  }
0x52: {  	s20 =	sadd.s32 $0x2900, s18;
	[sflag:s24] =	ssyncadd.s32 $0xFFFFF060  }
0x53: {  	[spmem:s3] =	stream.indirect.scatter.add.f32 [tilespmem:s17], [sflag:$0x6], $0x10, s20, s14, $0xb8;
	[tilespmem:$0xB600] =	vst v63  }
0x54: {  	_ =	swait.ge [sflag:s25], $0xFA0  }
0x55: {  	[sflag:s25] =	ssyncset.done $0x0  }
0x56: {  	s20 =	sadd.s32 $0x500, s18;
	[sflag:s25] =	ssyncadd.s32 $0xFFFFF060  }
0x57: {  	[tilespmem:s17], [sflag:$0x2] =	stream.indirect.gather [hbm4b:s5+s14], $0x10, s20, s14, $0xb8;
	[tilespmem:$0xB600] =	vst v63  }
0x58: {  	_ =	swait.ge [sflag:s26], $0xFA0  }
0x59: {  	[sflag:s26] =	ssyncset.done $0x0  }
0x5a: {  	s20 =	sadd.s32 $0x2A00, s18;
	[sflag:s26] =	ssyncadd.s32 $0xFFFFF060  }
0x5b: {  	[spmem:s3] =	stream.indirect.scatter.add.f32 [tilespmem:s19], [sflag:$0x7], $0x10, s20, s14, $0xb8;
	[tilespmem:$0xB600] =	vst v63  }
0x5c: {  	_ =	swait.ge [sflag:s28], $0xFA0  }
0x5d: {  	[sflag:s28] =	ssyncset.done $0x0  }
0x5e: {  	s20 =	sadd.s32 $0x600, s18;
	[sflag:s28] =	ssyncadd.s32 $0xFFFFF060  }
0x5f: {  	[tilespmem:s19], [sflag:$0x3] =	stream.indirect.gather [hbm4b:s5+s14], $0x10, s20, s14, $0xb8;
	[tilespmem:$0xB600] =	vst v63  }
0x60: {  	_ =	swait.ge [sflag:s29], $0xFA0  }
0x61: {  	[sflag:s29] =	ssyncset.done $0x0  }
.Ltmp0:
0x62: {  	s20 =	sadd.s32 $0x2B00, s18;
	[sflag:s29] =	ssyncadd.s32 $0xFFFFF060;
	(pc) =	sbr.rel @p0 .LBB2_2-.Ltmp0, $4  }
0x63: {  	[spmem:s3] =	stream.indirect.scatter.add.f32 [tilespmem:s21], [sflag:$0x8], $0x10, s20, s14, $0xb8;
	[tilespmem:$0xB600] =	vst v63  }
0x64: {  	_ =	swait.ge [sflag:s30], $0xFA0  }
0x65: {  	[sflag:s30] =	ssyncset.done $0x0  }
0x66: {  	s18 =	sadd.s32 $0x700, s18;
	[sflag:s30] =	ssyncadd.s32 $0xFFFFF060  }
0x67: {  	[tilespmem:s21], [sflag:$0x4] =	stream.indirect.gather [hbm4b:s5+s14], $0x10, s18, s14, $0xb8;
	[tilespmem:$0xB600] =	vst v63  }
0x68: {  	_ =	swait.ge [sflag:s22], $0xFA0  }
0x69: {  	[sflag:s22] =	ssyncset.done $0x0  }
0x6a: {  	[sflag:s22] =	ssyncadd.s32 $0xFFFFF060  }
0x6b: {  	[spmem:s3] =	stream.indirect.scatter.add.f32 [tilespmem:s15], [sflag:$0x5], $0x10, s31, s14, $0xb8;
	[tilespmem:$0xB600] =	vst v63  }
0x6c: {  	_ =	swait.ge [sflag:s23], $0xFA0  }
0x6d: {  	[sflag:s23] =	ssyncset.done $0x0  }
0x6e: {  	[sflag:s23] =	ssyncadd.s32 $0xFFFFF060  }
0x6f: {  	_ =	swait.ge [sflag:s24], $0xFA0  }
0x70: {  	[sflag:s24] =	ssyncset.done $0x0  }
0x71: {  	[sflag:s24] =	ssyncadd.s32 $0xFFFFF060  }
0x72: {  	[spmem:s3] =	stream.indirect.scatter.add.f32 [tilespmem:s17], [sflag:$0x6], $0x10, s1, s14, $0xb8;
	[tilespmem:$0xB600] =	vst v63  }
0x73: {  	_ =	swait.ge [sflag:s25], $0xFA0  }
0x74: {  	[sflag:s25] =	ssyncset.done $0x0  }
0x75: {  	[sflag:s25] =	ssyncadd.s32 $0xFFFFF060  }
0x76: {  	_ =	swait.ge [sflag:s26], $0xFA0  }
0x77: {  	[sflag:s26] =	ssyncset.done $0x0  }
0x78: {  	[sflag:s26] =	ssyncadd.s32 $0xFFFFF060  }
0x79: {  	[spmem:s3] =	stream.indirect.scatter.add.f32 [tilespmem:s19], [sflag:$0x7], $0x10, s0, s14, $0xb8;
	[tilespmem:$0xB600] =	vst v63  }
0x7a: {  	_ =	swait.ge [sflag:s28], $0xFA0  }
0x7b: {  	[sflag:s28] =	ssyncset.done $0x0  }
0x7c: {  	[sflag:s28] =	ssyncadd.s32 $0xFFFFF060  }
0x7d: {  	_ =	swait.ge [sflag:s29], $0xFA0  }
0x7e: {  	[sflag:s29] =	ssyncset.done $0x0  }
0x7f: {  	[sflag:s29] =	ssyncadd.s32 $0xFFFFF060  }
0x80: {  	[spmem:s3] =	stream.indirect.scatter.add.f32 [tilespmem:s21], [sflag:$0x8], $0x10, s2, s14, $0xb8;
	[tilespmem:$0xB600] =	vst v63  }
0x81: {  	_ =	swait.ge [sflag:s30], $0xFA0  }
0x82: {  	s13 =	sadd.s32 $0x1, s13;
	[sflag:s30] =	ssyncset.done $0x0  }
0x83: {  	p0 =	sne.s32 s13, s10;
	[sflag:s30] =	ssyncadd.s32 $0xFFFFF060  }
.Ltmp1:
0x84: {  	[bflag:$0x0] =	sbarrier.arrive $0xFFFF;
	(pc) =	sbr.rel @p0 .LBB2_1-.Ltmp1, $4  }
0x85: {  	[hbm:s9], [sflag:s6] =	dma.local [spmem:s11], $0x4F0  }
0x86: {  	_ =	swait.ge [sflag:s12], $0x4F0  }
0x87: {  	[sflag:s12] =	ssyncset.done $0x0  }
0x88: {  	[sflag:s12] =	ssyncadd.s32 $0xFFFFFB10  }
0x89: {  	_ =	sfence.sel $0x180000  }
0x8a: {  	[bflag:$0x0] =	sbarrier.arrive $0xFFFF  }
0x8b: {  	_ =	strace $0x9000004A  }
0x8c: {  	s0 =	stileid.u32;
	[bflag:$0x2] =	sbarrier.arrive $0xFFFF  }
0x8d: {  	p0 =	sne.s32 s0, $0x0;
	s0 =	rddreg [dreg:$0x3]  }
0x8e: {  	s0 =	sadd.s32 @!p0 $0x100000, s0  }
0x8f: {  	[sflag:s0] =	ssyncadd.tile.s32 @!p0 $0x1;
	_ =	shalt  }
.Lfunc_end2:
_tile_overlayer_lowered:
.L_overlay_start_2:
0x90: {  	(tag) =	ssettag $0x2  }
0x91: {  	s0 =	rddreg [dreg:$0x0];
	s2 =	stileid.u32  }
0x92: {  	s1 =	rddreg [dreg:$0x1];
	p0 =	sne.s32 s2, $0x0  }
0x93: {  	s3 =	rddreg [dreg:$0x2];
	[bflag:$0x3] =	sbarrier.arrive $0xFFFF;
	s2 =	simm.s32 @!p0 $0x1C09  }
0x94: {  	[timem:s3], [sflag:s2] =	dma.local @!p0 [hbm:s0], s1  }
0x95: {  	s0 =	simm.s32 @!p0 $0x9  }
0x96: {  	_ =	swait.ge @!p0 [sflag:s0], s1  }
0x97: {  	s1 =	ssub.s32 @!p0 $0x0, s1;
	[sflag:s0] =	ssyncset.done @!p0 $0x0  }
0x98: {  	[sflag:s0] =	ssyncadd.s32 @!p0 s1  }
0x99: {  	[bflag:$0x3] =	sbarrier.arrive $0xFFFF  }
0x9a: {  	_ =	shalt  }

// kernel: kernel.7.cloned.1.call-start
scs
__scs_entry_jumppad:
0x0: {  	(pc) =	sbr.rel $0x88, $3  }
0x1: {  	(tag) =	ssettag $0x0;
	lr =	simm.s32 $0x1  }
0x2: {  	[smem:$0x3F95] =	sst lr;
	_ =	strace $0xD0000000  }
0x3: {  	_ = 	snop  }
0x4: {  	_ = 	snop  }
0x5: {  	_ = 	snop  }
0x6: {  	_ = 	snop  }
0x7: {  	_ = 	snop  }
__scs_overlays_trampoline_lowered:
0x8: {  	[smem:$0x3FA4] =	sst s0  }
0x9: {  	[smem:$0x3FA5] =	sst s1  }
0xa: {  	[smem:$0x3FA6] =	sst s2  }
0xb: {  	[smem:$0x3FA7] =	sst s3  }
0xc: {  	[smem:$0x3FA8] =	sst s4  }
0xd: {  	[smem:$0x3FA9] =	sst s5  }
0xe: {  	[smem:$0x3FAA] =	sst s6  }
0xf: {  	[smem:$0x3FAB] =	sst s7  }
0x10: {  	[smem:$0x3FAC] =	sst s8  }
0x11: {  	[smem:$0x3FAD] =	sst s9;
	s0 =	simm.s32 @!p0 $0x0  }
0x12: {  	s1 =	sld [smem:$0x3F93];
	s0 =	simm.s32 @p0 $0x1  }
0x13: {  	[smem:$0x3FAE] =	sst s0;
	s0 =	simm.s32 @!p1 $0x0  }
0x14: {  	s2 =	sld [smem:$0x3F92];
	s0 =	simm.s32 @p1 $0x1  }
0x15: {  	[smem:$0x3FAF] =	sst s0;
	s0 =	simm.s32 @!p2 $0x0  }
0x16: {  	s3 =	sld [smem:$0x3FDB];
	s0 =	simm.s32 @p2 $0x1  }
0x17: {  	s4 =	simm.s32 $0x1BF5;
	[smem:$0x3FB1] =	sst s0  }
0x18: {  	s0 =	sld [smem:$0x3F94];
	_ =	swait.ge [sflag:s4], $0x0  }
0x19: {  	s7 =	sld [smem:$0x3F95]  }
0x1a: {  	s8 =	sadd.s32 $0xFFFFE003, lr  }
0x1b: {  	s9 =	sadd.s32 $0xFFFFFEF7, lr;
	s5 =	simm.s32 $0xFFFFFFFF;
	p2 =	slt.u32 s8, $0xFFFFF086  }
0x1c: {  	p1 =	slt.u32 s9, $0xF7A;
	s5 =	simm.s32 @!p2 $0x0  }
0x1d: {  	s5 =	simm.s32 @p1 $0x1;
	p0 =	seq.s32 s7, s2  }
0x1e: {  	s7 =	smul.u32 @!p0 $0xF7A, s2;
	p2 =	seq.s32 @!p0 s5, $0x0  }
0x1f: {  	s9 =	smul.u32 $0xF7A, s1;
	s8 =	simm.s32 @!p0 $0x1BF5;
	p2 =	por !p2, p0  }
0x20: {  	[sflag:s8] =	ssyncset.s32 @!p0 $0xFFFFF086;
	s6 =	sadd.s32 @!p0 s3, s7;
	s7 =	simm.s32 @!p0 $0x108  }
0x21: {  	s3 =	sadd.s32 s3, s9;
	s6 =	sadd.s32 @!p0 $0x88, s6;
	s7 =	simm.s32 @p2 $0x1082  }
0x22: {  	[simem:s7], [sflag:s8] =	dma.local @!p0 [hbm:s6], $0xF7A  }
0x23: {  	s9 =	sor.u32 $0xD0000000, s2;
	s6 =	simm.s32 $0x108;
	_ =	swait.ge @!p0 [sflag:s8], $0x0  }
0x24: {  	s3 =	sadd.s32 $0x88, s3;
	s6 =	simm.s32 @!p1 $0x1082;
	[sflag:s4] =	ssyncset.s32 $0xFFFFF086  }
0x25: {  	[simem:s6], [sflag:s4] =	dma.local [hbm:s3], $0xF7A  }
0x26: {  	[smem:$0x3F95] =	sst s1;
	(tag) =	ssettag s2;
	_ =	strace s9  }
0x27: {  	s1 =	sld [smem:$0x3FA5]  }
0x28: {  	s2 =	sld [smem:$0x3FA6]  }
0x29: {  	s4 =	sld [smem:$0x3FA8]  }
0x2a: {  	p0 =	seq.s32 s5, $0x0;
	s5 =	sld [smem:$0x3FA9]  }
0x2b: {  	s6 =	sld [smem:$0x3FAA]  }
0x2c: {  	s7 =	sld [smem:$0x3FAB]  }
0x2d: {  	s3 =	simm.s32 $0x108;
	s8 =	sld [smem:$0x3FAC]  }
0x2e: {  	s3 =	simm.s32 @!p0 $0x1082;
	s9 =	sld [smem:$0x3FAD]  }
0x2f: {  	lr =	sadd.s32 s0, s3;
	s0 =	sld [smem:$0x3FA4]  }
0x30: {  	s3 =	sld [smem:$0x3FA7]  }
0x31: {  	[smem:$0x3FB0] =	sst s10  }
0x32: {  	s10 =	sld [smem:$0x3FAE];
	_ =	sdelay $0x3  }
0x33: {  	p0 =	seq.s32 s10, $0x1;
	s10 =	sld [smem:$0x3FB0];
	_ =	sdelay $0x3  }
0x34: {  	[smem:$0x3FB0] =	sst s10  }
0x35: {  	s10 =	sld [smem:$0x3FAF];
	_ =	sdelay $0x3  }
0x36: {  	p1 =	seq.s32 s10, $0x1;
	s10 =	sld [smem:$0x3FB0];
	_ =	sdelay $0x3  }
0x37: {  	[smem:$0x3FB0] =	sst s10  }
0x38: {  	s10 =	sld [smem:$0x3FB1]  }
0x39: {  	_ = 	snop;
	(pc) =	sbr.ind lr, $3  }
0x3a: {  	_ = 	snop  }
0x3b: {  	_ = 	snop  }
0x3c: {  	p2 =	seq.s32 s10, $0x1;
	s10 =	sld [smem:$0x3FB0]  }
0x3d: {  	_ =	shalt  }
0x3e: {  	_ =	shalt  }
0x3f: {  	_ =	shalt  }
0x40: {  	_ =	shalt  }
0x41: {  	_ =	shalt  }
0x42: {  	_ =	shalt  }
0x43: {  	_ =	shalt  }
0x44: {  	_ =	shalt  }
0x45: {  	_ =	shalt  }
0x46: {  	_ =	shalt  }
0x47: {  	_ =	shalt  }
0x48: {  	_ =	shalt  }
0x49: {  	_ =	shalt  }
0x4a: {  	_ =	shalt  }
0x4b: {  	_ =	shalt  }
0x4c: {  	_ =	shalt  }
0x4d: {  	_ =	shalt  }
0x4e: {  	_ =	shalt  }
0x4f: {  	_ =	shalt  }
0x50: {  	_ =	shalt  }
0x51: {  	_ =	shalt  }
0x52: {  	_ =	shalt  }
0x53: {  	_ =	shalt  }
0x54: {  	_ =	shalt  }
0x55: {  	_ =	shalt  }
0x56: {  	_ =	shalt  }
0x57: {  	_ =	shalt  }
0x58: {  	_ =	shalt  }
0x59: {  	_ =	shalt  }
0x5a: {  	_ =	shalt  }
0x5b: {  	_ =	shalt  }
0x5c: {  	_ =	shalt  }
0x5d: {  	_ =	shalt  }
0x5e: {  	_ =	shalt  }
0x5f: {  	_ =	shalt  }
0x60: {  	_ =	shalt  }
0x61: {  	_ =	shalt  }
0x62: {  	_ =	shalt  }
0x63: {  	_ =	shalt  }
0x64: {  	_ =	shalt  }
0x65: {  	_ =	shalt  }
0x66: {  	_ =	shalt  }
0x67: {  	_ =	shalt  }
0x68: {  	_ =	shalt  }
0x69: {  	_ =	shalt  }
0x6a: {  	_ =	shalt  }
0x6b: {  	_ =	shalt  }
0x6c: {  	_ =	shalt  }
0x6d: {  	_ =	shalt  }
0x6e: {  	_ =	shalt  }
0x6f: {  	_ =	shalt  }
0x70: {  	_ =	shalt  }
0x71: {  	_ =	shalt  }
0x72: {  	_ =	shalt  }
0x73: {  	_ =	shalt  }
0x74: {  	_ =	shalt  }
0x75: {  	_ =	shalt  }
0x76: {  	_ =	shalt  }
0x77: {  	_ =	shalt  }
0x78: {  	_ =	shalt  }
0x79: {  	_ =	shalt  }
0x7a: {  	_ =	shalt  }
0x7b: {  	_ =	shalt  }
0x7c: {  	_ =	shalt  }
0x7d: {  	_ =	shalt  }
0x7e: {  	_ =	shalt  }
0x7f: {  	_ =	shalt  }
0x80: {  	_ =	shalt  }
0x81: {  	_ =	shalt  }
0x82: {  	_ =	shalt  }
0x83: {  	_ =	shalt  }
0x84: {  	_ =	shalt  }
0x85: {  	_ =	shalt  }
0x86: {  	_ =	shalt  }
0x87: {  	_ =	shalt  }
.Lfunc_end0:
.L_simem_size_0:
called_computation_lowered:
.L_overlay_start_0:
0x88: {  	s2 =	sld [smem:$0x3FD9]  }
0x89: {  	s3 =	sld [smem:$0x3FFE];
	_ =	sdelay $0x1  }
0x8a: {  	s1 =	srdreg.scid  }
0x8b: {  	s0 =	sand.u32 $0x1, s1  }
0x8c: {  	s17 =	sshll.u32 s0, $0xA;
	s2 =	sadd.s32 s3, s2  }
0x8d: {  	s2 =	sadd.s32 s2, s17  }
0x8e: {  	[smem:$0x3FBC] =	sst s2  }
0x8f: {  	_ = 	snop  }
0x90: {  	s2 =	sld [smem:$0x3FD0];
	(tm) =	ssettm $0x1  }
0x91: {  	s18 =	sld [smem:$0x3FFB];
	_ =	sdelay $0x3  }
0x92: {  	_ =	strace s18  }
0x93: {  	s3 =	sld [smem:$0x3FFC];
	_ =	sdelay $0x3  }
0x94: {  	_ =	strace s3  }
0x95: {  	s3 =	sld [smem:$0x3FFD];
	_ =	sdelay $0x3  }
0x96: {  	_ =	strace s3  }
0x97: {  	_ =	strace $0x8FFFFFFF  }
0x98: {  	s19 =	sld [smem:$0x3FDB];
	_ =	sdelay $0x1  }
0x99: {  	s4 =	simm.s32 $_scs_section_size  }
0x9a: {  	s5 =	simm.s32 $_size__tile_overlayer_lowered;
	s6 =	simm.s32 $_tile_overlayer_lowered  }
0x9b: {  	s22 =	simm.s32 $0x1BFF;
	s21 =	sshll.u32 s6, $0x1;
	s3 =	sadd.s32 s4, s19  }
0x9c: {  	s7 =	simm.s32 $0x0;
	s20 =	sshll.u32 s5, $0x1;
	s5 =	sadd.s32 s21, s3  }
0x9d: {  	[timem:s7], [sflag:s22] =	dma.local [hbm:s5], s20  }
0x9e: {  	_ =	swait.ge [sflag:s22], s20  }
0x9f: {  	s4 =	ssub.s32 $0x0, s20;
	[sflag:s22] =	ssyncset.done $0x0  }
0xa0: {  	[sflag:s22] =	ssyncadd.s32 s4;
	_ =	sdelay $0x1  }
0xa1: {  	s23 =	simm.s32 $0x1B8B  }
0xa2: {  	_ =	swait.ge [sflag:s23], $0x1  }
0xa3: {  	[sflag:s23] =	ssyncset.done $0x0  }
0xa4: {  	s25 =	simm.s32 $0x1B8E;
	s24 =	sld [smem:$0x3FFE];
	[sflag:s23] =	ssyncadd.s32 $0xFFFFFFFF  }
0xa5: {  	s26 =	simm.s32 $execute0_lowered;
	[smem:$0x3FD2] =	sst s25  }
0xa6: {  	s5 =	sshll.u32 s26, $0x1;
	_ =	strace $0x80000046;
	[dreg:$0x1] =	wrdreg $0xFFFFFFFF  }
0xa7: {  	s28 =	simm.s32 $_size_execute0_lowered;
	s3 =	sadd.s32 s3, s5;
	[dreg:$0x0] =	wrdreg $0x0  }
0xa8: {  	s5 =	sshll.u32 s28, $0x1;
	[dreg:$0x2] =	wrdreg s3  }
0xa9: {  	[dreg:$0x3] =	wrdreg s5  }
0xaa: {  	[dreg:$0x4] =	wrdreg $0xC0  }
0xab: {  	_ =	task [dreg:s7], $0x5FFFF  }
0xac: {  	[dreg:$0x1] =	wrdreg $0xFFFFFFFF  }
0xad: {  	[dreg:$0x0] =	wrdreg $0x60  }
0xae: {  	[dreg:$0x2] =	wrdreg s24  }
0xaf: {  	[dreg:$0x3] =	wrdreg s2  }
0xb0: {  	[dreg:$0x4] =	wrdreg $0xCD000  }
0xb1: {  	[dreg:$0x5] =	wrdreg $0x123D00  }
0xb2: {  	[dreg:$0x6] =	wrdreg $0x9  }
0xb3: {  	_ =	task.clear_ibuf [dreg:s7], $0x7FFFF;
	_ =	strace $0x90000046  }
0xb4: {  	s29 =	simm.s32 $0x9;
	_ =	strace $0x80000048  }
0xb5: {  	_ =	swait.ge [sflag:s29], $0x1  }
0xb6: {  	[sflag:s29] =	ssyncadd.s32 $0xFFFFFFFF  }
0xb7: {  	_ =	strace $0x90000048  }
0xb8: {  	_ =	sfence  }
0xb9: {  	s30 =	sld [smem:$0x0];
	_ =	sdelay $0x2  }
0xba: {  	s31 =	sshll.u32 s1, $0xD;
	s1 =	sshrl.u32 s1, $0x2  }
0xbb: {  	s3 =	sand.u32 $0x4000, s31;
	s1 =	sadd.s32 s1, s30  }
0xbc: {  	s0 =	sor.u32 s3, s0;
	s1 =	sshll.u32 s1, $0x11  }
0xbd: {  	s0 =	sor.u32 s1, s0  }
0xbe: {  	s0 =	sadd.s32 $0x8F2B, s0  }
0xbf: {  	[sflag:s0] =	ssyncadd.remote.s32 $0x1  }
0xc0: {  	_ =	sfence.sel $0xFFFF  }
0xc1: {  	[dreg:$0x0] =	wrdreg $0xFFFFFFFF;
	(pc) =	sbr.abs _section_cstart, $3  }
0xc2: {  	[dreg:$0x1] =	wrdreg $0xFFFFFFFF  }
0xc3: {  	_ =	task.clear_ibuf [dreg:s7], $0x2FFFF;
	_ =	strace $0x9FFFFFFF  }
0xc4: {  	(tm) =	ssettm $0x7FFFFFFF  }
0xc5: {  	_ =	shalt  }
tec
execute0_lowered:
.L_overlay_start_1:
0x0: {  	(tag) =	ssettag $0x1  }
0x1: {  	s0 =	srdreg.scid;
	s1 =	rddreg [dreg:$0x0]  }
0x2: {  	s5 =	stileid.u32;
	s3 =	rddreg [dreg:$0x2]  }
0x3: {  	s4 =	rddreg [dreg:$0x3];
	s6 =	simm.s32 $0x0;
	s16 =	simm.s32 $0xD  }
0x4: {  	s18 =	simm.s32 $0x11C00;
	s20 =	simm.s32 $0xFA;
	s21 =	simm.s32 $0x5000  }
0x5: {  	s28 =	simm.s32 $0xADC0;
	s29 =	simm.s32 $0x1;
	s30 =	simm.s32 $0x5  }
0x6: {  	s31 =	simm.s32 $0x7;
	s12 =	simm.s32 $0xB;
	s13 =	simm.s32 $0xC  }
0x7: {  	s14 =	simm.s32 $0x0;
	s0 =	sand.u32 $0x1, s0;
	s7 =	smul.u32 $0x4F00, s5  }
0x8: {  	[smem:$0x7FF] =	sst s6;
	s10 =	smul.u32 $0x13C0, s5;
	s6 =	sadd.s32 $0x2600, s1  }
0x9: {  	s11 =	sadd.s32 $0x20400, s1;
	s22 =	sadd.s32 $0x20E00, s1;
	s24 =	sshll.u32 s5, $0x6  }
0xa: {  	s8 =	smul.u32 $0x4F000, s0;
	_ =	strace $0x80000047;
	[dreg:$0x5] =	wrdreg s11  }
0xb: {  	s2 =	sshll.u32 s0, $0x4;
	s9 =	smul.u32 $0x13C00, s0;
	[dreg:$0x6] =	wrdreg s22  }
0xc: {  	s0 =	ssub.s32 $0x2, s0;
	s22 =	simm.s32 $0x4;
	s2 =	sor.u32 s5, s2  }
0xd: {  	s11 =	simm.s32 $0xA;
	s23 =	sshrl.u32 s0, $0x1;
	s2 =	smul.u32 $0x2800, s2  }
0xe: {  	s8 =	sadd.s32 s7, s8;
	s9 =	sadd.s32 s10, s9;
	s0 =	ssub.s32 s0, s23  }
0xf: {  	s7 =	sadd.s32 s7, s3;
	s10 =	sadd.s32 s10, s4;
	s23 =	simm.s32 $0x6F40  }
0x10: {  	s8 =	sshrl.u32 s8, $0x3;
	s9 =	sshrl.u32 s9, $0x3;
	s0 =	smax.u32 s0, $0x1  }
0x11: {  	s5 =	sshrl.u32 s7, $0x3;
	s7 =	sshrl.u32 s10, $0x3;
	s10 =	simm.s32 $0x9  }
0x12: {  	s2 =	sshrl.u32 s2, $0x3;
	s8 =	sadd.s32 s8, s1;
	[dreg:$0xb] =	wrdreg s0  }
0x13: {  	[dreg:$0xc] =	wrdreg s7;
	s2 =	sadd.s32 s2, s1;
	s26 =	sadd.s32 $0x26000, s8  }
.Ltmp0:
0x14: {  	s25 =	sadd.s32 $0xC400, s2;
	[dreg:$0x9] =	wrdreg s26;
	(pc) =	sbr.rel .LBB2_1-.Ltmp0, $4  }
0x15: {  	s1 =	sadd.s32 s9, s1;
	s2 =	sadd.s32 $0x16400, s2;
	[dreg:$0x7] =	wrdreg s25  }
0x16: {  	s9 =	sor.u32 $0x1C0D, s24;
	s1 =	sadd.s32 $0x21000, s1;
	[dreg:$0x8] =	wrdreg s2  }
0x17: {  	s24 =	simm.s32 $0x3;
	s8 =	simm.s32 $0x8;
	[dreg:$0xa] =	wrdreg s1  }
0x18: {  	s25 =	simm.s32 $0x8E80;
	s2 =	simm.s32 $0x2;
	s1 =	simm.s32 $0x6  }
.LBB2_4:
0x19: {  	_ =	swait.ge [sflag:s10], $0x7D0  }
0x1a: {  	[sflag:s10] =	ssyncset.done $0x0  }
0x1b: {  	[sflag:s10] =	ssyncadd.s32 $0xFFFFF830  }
0x1c: {  	_ =	swait.ge [sflag:s11], $0x7D0  }
0x1d: {  	[sflag:s11] =	ssyncset.done $0x0  }
0x1e: {  	[sflag:s11] =	ssyncadd.s32 $0xFFFFF830  }
0x1f: {  	_ =	swait.ge [sflag:s12], $0x7D0  }
0x20: {  	[sflag:s12] =	ssyncset.done $0x0  }
0x21: {  	[sflag:s12] =	ssyncadd.s32 $0xFFFFF830  }
0x22: {  	_ =	swait.ge [sflag:s13], $0x7D0  }
0x23: {  	[sflag:s13] =	ssyncset.done $0x0  }
0x24: {  	[sflag:s13] =	ssyncadd.s32 $0xFFFFF830  }
0x25: {  	[bflag:$0x0] =	sbarrier.arrive $0xFFFF  }
0x26: {  	s0 =	rddreg [dreg:$0x9]  }
0x27: {  	[hbm:s0], [sflag:s9] =	dma.local [spmem:s17], $0x9E0  }
0x28: {  	_ =	swait.ge [sflag:s16], $0x9E0  }
0x29: {  	[sflag:s16] =	ssyncset.done $0x0;
	s19 =	rddreg [dreg:$0xa]  }
0x2a: {  	s7 =	rddreg [dreg:$0xc];
	[sflag:s16] =	ssyncadd.s32 $0xFFFFF620  }
0x2b: {  	[hbm:s19], [sflag:s9] =	dma.local [spmem:s7], $0x278  }
0x2c: {  	_ =	swait.ge [sflag:s16], $0x278  }
0x2d: {  	s14 =	sadd.s32 $0x1, s14;
	s26 =	rddreg [dreg:$0xb]  }
0x2e: {  	p0 =	sne.s32 s14, s26  }
.Ltmp1:
0x2f: {  	_ = 	snop;
	(pc) =	sbr.rel @!p0 .LBB2_5-.Ltmp1, $3  }
0x30: {  	_ =	sdelay $0x1  }
0x31: {  	[sflag:s16] =	ssyncset.done $0x0  }
0x32: {  	s5 =	smov.u32 s17;
	[sflag:s16] =	ssyncadd.s32 $0xFFFFFD88  }
.LBB2_1:
0x33: {  	s0 =	rddreg [dreg:$0x5]  }
0x34: {  	[spmem:s5], [sflag:s9] =	dma.local [hbm:s0], $0x9E0  }
0x35: {  	_ =	swait.ge [sflag:s16], $0x9E0  }
0x36: {  	[sflag:s16] =	ssyncset.done $0x0  }
0x37: {  	[sflag:s16] =	ssyncadd.s32 $0xFFFFF620  }
0x38: {  	s19 =	rddreg [dreg:$0x1]  }
0x39: {  	[spmem:s7], [sflag:s9] =	dma.local [hbm:s19], $0x278  }
0x3a: {  	_ =	swait.ge [sflag:s16], $0x278  }
0x3b: {  	[sflag:s16] =	ssyncset.done $0x0  }
0x3c: {  	s0 =	simm.s32 $0x0;
	s26 =	rddreg [dreg:$0x6];
	[sflag:s16] =	ssyncadd.s32 $0xFFFFFD88  }
0x3d: {  	[tilespmem:s18], [sflag:$0xD] =	stream.linear.gather [hbm4b:s26+s0], $0x7D0, $0x38;
	[tilespmem:$0x13790] =	vst v63  }
0x3e: {  	_ =	swait.ge [sflag:s16], $0x7D0  }
0x3f: {  	[sflag:s16] =	ssyncset.done $0x0  }
0x40: {  	s7 =	rddreg [dreg:$0x7];
	[sflag:s16] =	ssyncadd.s32 $0xFFFFF830  }
0x41: {  	[tilespmem:s0], [sflag:$0xD] =	stream.linear.gather [hbm4b:s7+s0], $0x2800, $0x38;
	[tilespmem:$0x13790] =	vst v63  }
0x42: {  	_ =	swait.ge [sflag:s16], $0x2800  }
0x43: {  	[sflag:s16] =	ssyncset.done $0x0  }
0x44: {  	s19 =	simm.s32 $0x2800;
	s15 =	rddreg [dreg:$0x8];
	[sflag:s16] =	ssyncadd.s32 $0xFFFFD800  }
0x45: {  	[tilespmem:s19], [sflag:$0xD] =	stream.linear.gather [hbm4b:s15+s0], $0x2800, $0x38;
	[tilespmem:$0x13790] =	vst v63  }
0x46: {  	_ =	swait.ge [sflag:s16], $0x2800  }
0x47: {  	[sflag:s16] =	ssyncset.done $0x0  }
0x48: {  	[sflag:s16] =	ssyncadd.s32 $0xFFFFD800  }
0x49: {  	[tilespmem:s21], [sflag:$0x1] =	stream.indirect.gather [hbm4b:s6+s20], $0x20, s0, s20, $0xb8;
	[tilespmem:$0x13790] =	vst v63  }
0x4a: {  	s26 =	simm.s32 $0x100  }
0x4b: {  	[tilespmem:s23], [sflag:$0x2] =	stream.indirect.gather [hbm4b:s6+s20], $0x20, s26, s20, $0xb8;
	[tilespmem:$0x13790] =	vst v63  }
0x4c: {  	s17 =	smov.u32 s5;
	s5 =	simm.s32 $0x200  }
0x4d: {  	[tilespmem:s25], [sflag:$0x3] =	stream.indirect.gather [hbm4b:s6+s20], $0x20, s5, s20, $0xb8;
	[tilespmem:$0x13790] =	vst v63  }
0x4e: {  	s15 =	simm.s32 $0x300  }
0x4f: {  	[tilespmem:s28], [sflag:$0x4] =	stream.indirect.gather [hbm4b:s6+s20], $0x20, s15, s20, $0xb8;
	[tilespmem:$0x13790] =	vst v63  }
0x50: {  	[bflag:$0x0] =	sbarrier.arrive $0xFFFF  }
0x51: {  	_ =	swait.ge [sflag:s29], $0x1F40  }
0x52: {  	[sflag:s29] =	ssyncset.done $0x0  }
0x53: {  	[sflag:s29] =	ssyncadd.s32 $0xFFFFE0C0  }
0x54: {  	[spmem:s3] =	stream.indirect.scatter.add.f32 [tilespmem:s21], [sflag:$0x5], $0x20, s19, s20, $0xb8;
	[tilespmem:$0x13790] =	vst v63  }
0x55: {  	_ = 	snop  }
0x56: {  	[spmem:s4] =	stream.indirect.scatter.add.f32 [tilespmem:s18], [sflag:$0x9], $0x8, s19, s20, $0xb8;
	[tilespmem:$0x13790] =	vst v63  }
0x57: {  	_ =	swait.ge [sflag:s30], $0x1F40  }
0x58: {  	[sflag:s30] =	ssyncset.done $0x0  }
0x59: {  	s19 =	simm.s32 $0x400;
	[sflag:s30] =	ssyncadd.s32 $0xFFFFE0C0  }
0x5a: {  	[tilespmem:s21], [sflag:$0x1] =	stream.indirect.gather [hbm4b:s6+s20], $0x20, s19, s20, $0xb8;
	[tilespmem:$0x13790] =	vst v63  }
0x5b: {  	_ =	swait.ge [sflag:s2], $0x1F40  }
0x5c: {  	[sflag:s2] =	ssyncset.done $0x0  }
0x5d: {  	s26 =	simm.s32 $0x2900;
	[sflag:s2] =	ssyncadd.s32 $0xFFFFE0C0  }
0x5e: {  	[spmem:s3] =	stream.indirect.scatter.add.f32 [tilespmem:s23], [sflag:$0x6], $0x20, s26, s20, $0xb8;
	[tilespmem:$0x13790] =	vst v63  }
0x5f: {  	_ = 	snop  }
0x60: {  	[spmem:s4] =	stream.indirect.scatter.add.f32 [tilespmem:s18], [sflag:$0xA], $0x8, s26, s20, $0xb8;
	[tilespmem:$0x13790] =	vst v63  }
0x61: {  	_ =	swait.ge [sflag:s1], $0x1F40  }
0x62: {  	[sflag:s1] =	ssyncset.done $0x0  }
0x63: {  	s5 =	simm.s32 $0x500;
	[sflag:s1] =	ssyncadd.s32 $0xFFFFE0C0  }
0x64: {  	[tilespmem:s23], [sflag:$0x2] =	stream.indirect.gather [hbm4b:s6+s20], $0x20, s5, s20, $0xb8;
	[tilespmem:$0x13790] =	vst v63  }
0x65: {  	_ =	swait.ge [sflag:s24], $0x1F40  }
0x66: {  	[sflag:s24] =	ssyncset.done $0x0  }
0x67: {  	s7 =	simm.s32 $0x2A00;
	[sflag:s24] =	ssyncadd.s32 $0xFFFFE0C0  }
0x68: {  	[spmem:s3] =	stream.indirect.scatter.add.f32 [tilespmem:s25], [sflag:$0x7], $0x20, s7, s20, $0xb8;
	[tilespmem:$0x13790] =	vst v63  }
0x69: {  	_ = 	snop  }
0x6a: {  	[spmem:s4] =	stream.indirect.scatter.add.f32 [tilespmem:s18], [sflag:$0xB], $0x8, s7, s20, $0xb8;
	[tilespmem:$0x13790] =	vst v63  }
0x6b: {  	_ =	swait.ge [sflag:s31], $0x1F40  }
0x6c: {  	[sflag:s31] =	ssyncset.done $0x0  }
0x6d: {  	s15 =	simm.s32 $0x600;
	[sflag:s31] =	ssyncadd.s32 $0xFFFFE0C0  }
0x6e: {  	[tilespmem:s25], [sflag:$0x3] =	stream.indirect.gather [hbm4b:s6+s20], $0x20, s15, s20, $0xb8;
	[tilespmem:$0x13790] =	vst v63  }
0x6f: {  	_ =	swait.ge [sflag:s22], $0x1F40  }
0x70: {  	[sflag:s22] =	ssyncset.done $0x0  }
0x71: {  	s19 =	simm.s32 $0x2B00;
	[sflag:s22] =	ssyncadd.s32 $0xFFFFE0C0  }
0x72: {  	[spmem:s3] =	stream.indirect.scatter.add.f32 [tilespmem:s28], [sflag:$0x8], $0x20, s19, s20, $0xb8;
	[tilespmem:$0x13790] =	vst v63  }
0x73: {  	_ = 	snop  }
0x74: {  	[spmem:s4] =	stream.indirect.scatter.add.f32 [tilespmem:s18], [sflag:$0xC], $0x8, s19, s20, $0xb8;
	[tilespmem:$0x13790] =	vst v63  }
0x75: {  	_ =	swait.ge [sflag:s8], $0x1F40  }
0x76: {  	[sflag:s8] =	ssyncset.done $0x0  }
0x77: {  	s0 =	simm.s32 $0x0;
	s26 =	simm.s32 $0x700;
	[sflag:s8] =	ssyncadd.s32 $0xFFFFE0C0  }
0x78: {  	[tilespmem:s28], [sflag:$0x4] =	stream.indirect.gather [hbm4b:s6+s20], $0x20, s26, s20, $0xb8;
	[tilespmem:$0x13790] =	vst v63  }
.LBB2_2:
0x79: {  	_ =	swait.ge [sflag:s29], $0x1F40  }
0x7a: {  	s26 =	sshra.s32 s0, $0x2;
	[sflag:s29] =	ssyncset.done $0x0  }
0x7b: {  	s7 =	sadd.s32 $0x2C00, s26;
	[sflag:s29] =	ssyncadd.s32 $0xFFFFE0C0  }
0x7c: {  	[spmem:s3] =	stream.indirect.scatter.add.f32 [tilespmem:s21], [sflag:$0x5], $0x20, s7, s20, $0xb8;
	[tilespmem:$0x13790] =	vst v63  }
0x7d: {  	_ =	swait.ge [sflag:s10], $0x7D0  }
0x7e: {  	[sflag:s10] =	ssyncset.done $0x0  }
0x7f: {  	[sflag:s10] =	ssyncadd.s32 $0xFFFFF830  }
0x80: {  	[spmem:s4] =	stream.indirect.scatter.add.f32 [tilespmem:s18], [sflag:$0x9], $0x8, s7, s20, $0xb8;
	[tilespmem:$0x13790] =	vst v63  }
0x81: {  	p0 =	seq.s32 s0, $0x8000;
	_ =	swait.ge [sflag:s30], $0x1F40  }
0x82: {  	s5 =	simm.s32 @!p0 $0xFA;
	s7 =	sshra.s32 @!p0 s0, $0x2;
	[sflag:s30] =	ssyncset.done $0x0  }
0x83: {  	s15 =	simm.s32 @!p0 $0x5000;
	s19 =	sadd.s32 @!p0 $0x800, s7;
	[sflag:s30] =	ssyncadd.s32 $0xFFFFE0C0  }
0x84: {  	[tilespmem:s15], [sflag:$0x1] =	stream.indirect.gather @!p0 [hbm4b:s6+s5], $0x20, s19, s5, $0xb8;
	[tilespmem:$0x13790] =	vst v63  }
0x85: {  	_ =	swait.ge [sflag:s2], $0x1F40  }
0x86: {  	[sflag:s2] =	ssyncset.done $0x0  }
0x87: {  	s19 =	sadd.s32 $0x2D00, s26;
	[sflag:s2] =	ssyncadd.s32 $0xFFFFE0C0  }
0x88: {  	[spmem:s3] =	stream.indirect.scatter.add.f32 [tilespmem:s23], [sflag:$0x6], $0x20, s19, s20, $0xb8;
	[tilespmem:$0x13790] =	vst v63  }
0x89: {  	_ =	swait.ge [sflag:s11], $0x7D0  }
0x8a: {  	[sflag:s11] =	ssyncset.done $0x0  }
0x8b: {  	[sflag:s11] =	ssyncadd.s32 $0xFFFFF830  }
0x8c: {  	[spmem:s4] =	stream.indirect.scatter.add.f32 [tilespmem:s18], [sflag:$0xA], $0x8, s19, s20, $0xb8;
	[tilespmem:$0x13790] =	vst v63  }
0x8d: {  	_ =	swait.ge [sflag:s1], $0x1F40  }
0x8e: {  	[sflag:s1] =	ssyncset.done $0x0  }
0x8f: {  	s15 =	sadd.s32 @!p0 $0x900, s7;
	s19 =	simm.s32 @!p0 $0x6F40;
	[sflag:s1] =	ssyncadd.s32 $0xFFFFE0C0  }
0x90: {  	[tilespmem:s19], [sflag:$0x2] =	stream.indirect.gather @!p0 [hbm4b:s6+s5], $0x20, s15, s5, $0xb8;
	[tilespmem:$0x13790] =	vst v63  }
0x91: {  	_ =	swait.ge [sflag:s24], $0x1F40  }
0x92: {  	[sflag:s24] =	ssyncset.done $0x0  }
0x93: {  	s19 =	sadd.s32 $0x2E00, s26;
	[sflag:s24] =	ssyncadd.s32 $0xFFFFE0C0  }
0x94: {  	[spmem:s3] =	stream.indirect.scatter.add.f32 [tilespmem:s25], [sflag:$0x7], $0x20, s19, s20, $0xb8;
	[tilespmem:$0x13790] =	vst v63  }
0x95: {  	_ =	swait.ge [sflag:s12], $0x7D0  }
0x96: {  	[sflag:s12] =	ssyncset.done $0x0  }
0x97: {  	[sflag:s12] =	ssyncadd.s32 $0xFFFFF830  }
0x98: {  	[spmem:s4] =	stream.indirect.scatter.add.f32 [tilespmem:s18], [sflag:$0xB], $0x8, s19, s20, $0xb8;
	[tilespmem:$0x13790] =	vst v63  }
0x99: {  	_ =	swait.ge [sflag:s31], $0x1F40  }
0x9a: {  	[sflag:s31] =	ssyncset.done $0x0  }
0x9b: {  	s7 =	sadd.s32 @!p0 $0xA00, s7;
	s15 =	simm.s32 @!p0 $0x8E80;
	[sflag:s31] =	ssyncadd.s32 $0xFFFFE0C0  }
0x9c: {  	[tilespmem:s15], [sflag:$0x3] =	stream.indirect.gather @!p0 [hbm4b:s6+s5], $0x20, s7, s5, $0xb8;
	[tilespmem:$0x13790] =	vst v63  }
0x9d: {  	_ =	swait.ge [sflag:s22], $0x1F40  }
0x9e: {  	[sflag:s22] =	ssyncset.done $0x0  }
0x9f: {  	s19 =	sadd.s32 $0x2F00, s26;
	[sflag:s22] =	ssyncadd.s32 $0xFFFFE0C0  }
0xa0: {  	[spmem:s3] =	stream.indirect.scatter.add.f32 [tilespmem:s28], [sflag:$0x8], $0x20, s19, s20, $0xb8;
	[tilespmem:$0x13790] =	vst v63  }
0xa1: {  	_ =	swait.ge [sflag:s13], $0x7D0  }
0xa2: {  	[sflag:s13] =	ssyncset.done $0x0  }
.Ltmp2:
0xa3: {  	[sflag:s13] =	ssyncadd.s32 $0xFFFFF830;
	(pc) =	sbr.rel @p0 .LBB2_4-.Ltmp2, $4  }
0xa4: {  	[spmem:s4] =	stream.indirect.scatter.add.f32 [tilespmem:s18], [sflag:$0xC], $0x8, s19, s20, $0xb8;
	[tilespmem:$0x13790] =	vst v63  }
0xa5: {  	_ =	swait.ge [sflag:s8], $0x1F40  }
0xa6: {  	[sflag:s8] =	ssyncset.done $0x0  }
0xa7: {  	[sflag:s8] =	ssyncadd.s32 $0xFFFFE0C0  }
.Ltmp3:
0xa8: {  	(pc) =	sbr.rel .LBB2_2-.Ltmp3, $3  }
0xa9: {  	_ =	sdelay $0x1  }
0xaa: {  	s5 =	sadd.s32 $0xB00, s26;
	s0 =	sadd.s32 $0x1000, s0  }
0xab: {  	[tilespmem:s28], [sflag:$0x4] =	stream.indirect.gather [hbm4b:s6+s20], $0x20, s5, s20, $0xb8;
	[tilespmem:$0x13790] =	vst v63  }
.LBB2_5:
0xac: {  	_ =	sfence.sel $0x180000  }
0xad: {  	[bflag:$0x0] =	sbarrier.arrive $0xFFFF  }
0xae: {  	_ =	strace $0x90000047  }
0xaf: {  	s0 =	stileid.u32;
	[bflag:$0x2] =	sbarrier.arrive $0xFFFF  }
0xb0: {  	p0 =	sne.s32 s0, $0x0;
	s0 =	rddreg [dreg:$0x4]  }
0xb1: {  	s0 =	sadd.s32 @!p0 $0x100000, s0  }
0xb2: {  	[sflag:s0] =	ssyncadd.tile.s32 @!p0 $0x1;
	_ =	shalt  }
.Lfunc_end2:
_tile_overlayer_lowered:
.L_overlay_start_2:
0xb3: {  	(tag) =	ssettag $0x2  }
0xb4: {  	s0 =	rddreg [dreg:$0x0];
	s2 =	stileid.u32  }
0xb5: {  	s1 =	rddreg [dreg:$0x1];
	p0 =	sne.s32 s2, $0x0  }
0xb6: {  	s3 =	rddreg [dreg:$0x2];
	[bflag:$0x3] =	sbarrier.arrive $0xFFFF;
	s2 =	simm.s32 @!p0 $0x1C0D  }
0xb7: {  	[timem:s3], [sflag:s2] =	dma.local @!p0 [hbm:s0], s1  }
0xb8: {  	s0 =	simm.s32 @!p0 $0xD  }
0xb9: {  	_ =	swait.ge @!p0 [sflag:s0], s1  }
0xba: {  	s1 =	ssub.s32 @!p0 $0x0, s1;
	[sflag:s0] =	ssyncset.done @!p0 $0x0  }
0xbb: {  	[sflag:s0] =	ssyncadd.s32 @!p0 s1  }
0xbc: {  	[bflag:$0x3] =	sbarrier.arrive $0xFFFF  }
0xbd: {  	_ =	shalt  }

</sc_bundles>
